<compile_context>
chip_gen: v7x
topology: tpu7x:2x2x1
jax: 0.10.2.dev20260603
libtpu: 0.0.44.dev20260713+nightly
codegen_flags: <defaults>
</compile_context>

<pallas_src>
import jax
import jax.numpy as jnp
from jax.experimental import pallas as pl
from jax.experimental.pallas import tpu as pltpu

_NMS_POST = 256
_NMS_PRE = 1024
_NMS_THRESH = 0.7
_SCORE_THRESH = 0.1
_CHUNK = 8


def _nms_body(rows_ref, cols_ref, sco_ref, out_ref, valid_ref):
    x1r = rows_ref[0, 0:1, :]
    y1r = rows_ref[0, 1:2, :]
    x2r = rows_ref[0, 2:3, :]
    y2r = rows_ref[0, 3:4, :]
    area_r = jnp.maximum(x2r - x1r, 0.0) * jnp.maximum(y2r - y1r, 0.0)

    out_ref[...] = jnp.zeros((1, _NMS_POST, 8), jnp.float32)
    idx = jax.lax.broadcasted_iota(jnp.int32, (1, _NMS_PRE), 1)

    oh8 = jax.lax.broadcasted_iota(jnp.int32, (_CHUNK, 1), 0)

    def outer_cond(carry):
        blk, _, cnt = carry
        return jnp.logical_and(blk < _NMS_PRE // _CHUNK, cnt < _NMS_POST)

    def outer(carry):
        blk, keep, cnt = carry
        r0 = blk * _CHUNK
        ch = cols_ref[0, pl.ds(r0, _CHUNK), :]
        x1c = ch[:, 0:1]
        y1c = ch[:, 1:2]
        x2c = ch[:, 2:3]
        y2c = ch[:, 3:4]
        area_c = jnp.maximum(x2c - x1c, 0.0) * jnp.maximum(y2c - y1c, 0.0)
        xx1 = jnp.maximum(x1c, x1r)
        yy1 = jnp.maximum(y1c, y1r)
        xx2 = jnp.minimum(x2c, x2r)
        yy2 = jnp.minimum(y2c, y2r)
        inter = jnp.maximum(xx2 - xx1, 0.0) * jnp.maximum(yy2 - yy1, 0.0)
        union = jnp.maximum(area_c + area_r - inter, 1e-8)
        mask_blk = (inter / union > _NMS_THRESH).astype(jnp.float32)

        pre = jnp.max(mask_blk * keep, axis=1, keepdims=True)

        cht = ch.T
        xx1b = jnp.maximum(x1c, cht[0:1, :])
        yy1b = jnp.maximum(y1c, cht[1:2, :])
        xx2b = jnp.minimum(x2c, cht[2:3, :])
        yy2b = jnp.minimum(y2c, cht[3:4, :])
        interb = jnp.maximum(xx2b - xx1b, 0.0) * jnp.maximum(yy2b - yy1b, 0.0)
        unionb = jnp.maximum(area_c + area_c.T - interb, 1e-8)
        mask8 = (interb / unionb > _NMS_THRESH).astype(jnp.float32)

        kcol = jnp.zeros((_CHUNK, 1), jnp.float32)
        for k in range(_CHUNK):
            in_sup = jnp.max(kcol * mask8[:, k : k + 1])
            kept = jnp.logical_and(
                jnp.logical_and(pre[k, 0] <= 0.0, in_sup <= 0.0),
                sco_ref[0, 0, r0 + k] > _SCORE_THRESH,
            )
            kcol = jnp.where(jnp.logical_and(oh8 == k, kept), 1.0, kcol)
            keep = jnp.where(jnp.logical_and(idx == r0 + k, kept), 1.0, keep)

            @pl.when(jnp.logical_and(kept, cnt < _NMS_POST))
            def _(kept=kept, cnt=cnt, k=k):
                out_ref[0, pl.ds(cnt, 1), :] = cols_ref[0, pl.ds(r0 + k, 1), :]

            cnt = cnt + kept.astype(jnp.int32)
        return blk + 1, keep, cnt

    keep0 = jnp.zeros((1, _NMS_PRE), jnp.float32)
    _, _, cnt = jax.lax.while_loop(
        outer_cond, outer, (jnp.int32(0), keep0, jnp.int32(0))
    )
    valid_ref[0, 0, 0] = jnp.minimum(cnt, _NMS_POST)


def kernel(batch_box_preds, batch_cls_preds):
    b, _, _ = batch_box_preds.shape
    scores = jnp.max(batch_cls_preds, axis=-1)
    labels = jnp.argmax(batch_cls_preds, axis=-1).astype(jnp.float32)
    top_scores, top_idx = jax.lax.top_k(scores, _NMS_PRE)
    top_boxes = jnp.take_along_axis(batch_box_preds, top_idx[..., None], axis=1)
    top_labels = jnp.take_along_axis(labels, top_idx, axis=1)
    pad = jnp.zeros((b, _NMS_PRE, 2), jnp.float32)
    cols8 = jnp.concatenate(
        [top_boxes, top_scores[..., None], top_labels[..., None], pad], axis=-1
    )
    rows8 = jnp.transpose(cols8, (0, 2, 1))

    out, valid = pl.pallas_call(
        _nms_body,
        grid=(b,),
        in_specs=[
            pl.BlockSpec((1, 8, _NMS_PRE), lambda i: (i, 0, 0)),
            pl.BlockSpec((1, _NMS_PRE, 8), lambda i: (i, 0, 0)),
            pl.BlockSpec(
                (1, 1, _NMS_PRE), lambda i: (i, 0, 0), memory_space=pltpu.SMEM
            ),
        ],
        out_specs=[
            pl.BlockSpec((1, _NMS_POST, 8), lambda i: (i, 0, 0)),
            pl.BlockSpec((1, 1, 1), lambda i: (i, 0, 0), memory_space=pltpu.SMEM),
        ],
        out_shape=[
            jax.ShapeDtypeStruct((b, _NMS_POST, 8), jnp.float32),
            jax.ShapeDtypeStruct((b, 1, 1), jnp.int32),
        ],
    )(rows8, cols8, top_scores[:, None, :])

    return out[:, :, :6], valid[:, 0, 0]

# --- scband reference (transcript-rebuilt; emitter-appended) ---
"""Pipeline reference for scband-nms-46042049413158 (READ-ONLY COPY).

The authoritative reference and input builder live on the scoring server;
editing this copy changes nothing except your own understanding.
"""

import jax, jax.numpy as jnp
import numpy as np

NMS_POST_MAXSIZE = 256
NMS_PRE_MAXSIZE = 1024
NMS_THRESH = 0.7
SCORE_THRESH = 0.1
B = 4
N = 20000
NUM_CLS = 8


def setup_inputs(seed: int = 0) -> dict:
    key = jax.random.key(seed)
    k1, k2, k3 = jax.random.split(key, 3)
    xy = jax.random.uniform(k1, (B, N, 2), dtype=jnp.float32) * 100.0
    wh = jax.random.uniform(k2, (B, N, 2), dtype=jnp.float32) * 10.0 + 1.0
    batch_box_preds = jnp.concatenate([xy, xy + wh], axis=-1)  # [x1,y1,x2,y2]
    batch_cls_preds = jax.random.uniform(k3, (B, N, NUM_CLS), dtype=jnp.float32)
    return {"batch_box_preds": batch_box_preds, "batch_cls_preds": batch_cls_preds}


def _iou_matrix(boxes):
    x1, y1, x2, y2 = boxes[:, 0], boxes[:, 1], boxes[:, 2], boxes[:, 3]
    area = jnp.maximum(x2 - x1, 0.0) * jnp.maximum(y2 - y1, 0.0)
    xx1 = jnp.maximum(x1[:, None], x1[None, :])
    yy1 = jnp.maximum(y1[:, None], y1[None, :])
    xx2 = jnp.minimum(x2[:, None], x2[None, :])
    yy2 = jnp.minimum(y2[:, None], y2[None, :])
    inter = jnp.maximum(xx2 - xx1, 0.0) * jnp.maximum(yy2 - yy1, 0.0)
    union = area[:, None] + area[None, :] - inter
    return inter / jnp.maximum(union, 1e-8)


def _nms_single(boxes, cls):
    # per-box score/label: max over classes
    scores = jnp.max(cls, axis=-1)
    labels = jnp.argmax(cls, axis=-1)
    # pre-NMS top-k selection (nms_pre_maxsize)
    top_scores, top_idx = jax.lax.top_k(scores, NMS_PRE_MAXSIZE)
    top_boxes = boxes[top_idx]
    top_labels = labels[top_idx]
    # score threshold filtering
    valid_mask = top_scores > SCORE_THRESH
    # pairwise IoU among candidates (use_bev==0 -> axis-aligned corner boxes)
    ious = _iou_matrix(top_boxes)
    n = NMS_PRE_MAXSIZE
    idxs = jnp.arange(n)

    def body(i, state):
        keep, sup = state
        is_kept = jnp.logical_and(jnp.logical_not(sup[i]), valid_mask[i])
        keep = keep.at[i].set(is_kept)
        sup_row = jnp.logical_and(jnp.logical_and(ious[i] > NMS_THRESH, is_kept), idxs > i)
        sup = jnp.logical_or(sup, sup_row)
        return (keep, sup)

    keep, _ = jax.lax.fori_loop(0, n, body, (jnp.zeros((n,), bool), jnp.zeros((n,), bool)))
    # compact kept boxes (score-ordered) and truncate to nms_post_maxsize
    order = jnp.argsort(jnp.where(keep, idxs, n + idxs))
    sel = order[:NMS_POST_MAXSIZE]
    sel_keep = keep[sel]
    out_boxes = jnp.where(sel_keep[:, None], top_boxes[sel], 0.0)
    out_scores = jnp.where(sel_keep, top_scores[sel], 0.0)
    out_labels = jnp.where(sel_keep, top_labels[sel], 0).astype(jnp.float32)
    outputs = jnp.concatenate([out_boxes, out_scores[:, None], out_labels[:, None]], axis=-1)
    valid = jnp.minimum(jnp.sum(keep.astype(jnp.int32)), NMS_POST_MAXSIZE)
    return outputs, valid


def reference(batch_box_preds, batch_cls_preds):
    outputs, valid = jax.vmap(_nms_single)(batch_box_preds, batch_cls_preds)
    return outputs, valid

if __name__ == "__main__":
    import jax
    _d = setup_inputs()
    print(jax.jit(kernel)(*tuple(_d.values())))

</pallas_src>

<mosaic_0001>
module attributes {stable_mosaic.version = 14 : i64} {
  func.func @_nms_body(%arg0: i32, %arg1: memref<1x8x1024xf32, #tpu.memory_space<vmem>>, %arg2: memref<1x1024x8xf32, #tpu.memory_space<vmem>>, %arg3: memref<1x1x1024xf32, #tpu.memory_space<smem>>, %arg4: memref<1x256x8xf32, #tpu.memory_space<vmem>>, %arg5: memref<1x1x1xi32, #tpu.memory_space<smem>>) attributes {dimension_semantics = [#tpu.dimension_semantics<arbitrary>], iteration_bounds = array<i64: 4>, scalar_prefetch = 0 : i64, scratch_operands = 0 : i64, tpu.core_type = #tpu.core_type<tc>, window_params = [{transform_indices = @transform_0, window_bounds = array<i64: 1, 8, 1024>}, {transform_indices = @transform_1, window_bounds = array<i64: 1, 1024, 8>}, {transform_indices = @transform_2, window_bounds = array<i64: 1, 1, 1024>}, {transform_indices = @transform_3, window_bounds = array<i64: 1, 256, 8>}, {transform_indices = @transform_4, window_bounds = array<i64: 1, 1, 1>}]} {
    %get3A = arith.constant 0 : index
    %get3A_0 = arith.constant 0 : index
    %get3A_1 = arith.constant 0 : index
    %get3A_2 = vector.load %arg1[%get3A, %get3A_0, %get3A_1] : memref<1x8x1024xf32, #tpu.memory_space<vmem>>, vector<1x1x1024xf32>
    %get3A_3 = vector.shape_cast %get3A_2 : vector<1x1x1024xf32> to vector<1x1024xf32>
    %get3A_4 = arith.constant 0 : index
    %get3A_5 = arith.constant 1 : index
    %get3A_6 = arith.constant 0 : index
    %get3A_7 = vector.load %arg1[%get3A_4, %get3A_5, %get3A_6] : memref<1x8x1024xf32, #tpu.memory_space<vmem>>, vector<1x1x1024xf32>
    %get3A_8 = vector.shape_cast %get3A_7 : vector<1x1x1024xf32> to vector<1x1024xf32>
    %get3A_9 = arith.constant 0 : index
    %get3A_10 = arith.constant 2 : index
    %get3A_11 = arith.constant 0 : index
    %get3A_12 = vector.load %arg1[%get3A_9, %get3A_10, %get3A_11] : memref<1x8x1024xf32, #tpu.memory_space<vmem>>, vector<1x1x1024xf32>
    %get3A_13 = vector.shape_cast %get3A_12 : vector<1x1x1024xf32> to vector<1x1024xf32>
    %get3A_14 = arith.constant 0 : index
    %get3A_15 = arith.constant 3 : index
    %get3A_16 = arith.constant 0 : index
    %get3A_17 = vector.load %arg1[%get3A_14, %get3A_15, %get3A_16] : memref<1x8x1024xf32, #tpu.memory_space<vmem>>, vector<1x1x1024xf32>
    %get3A_18 = vector.shape_cast %get3A_17 : vector<1x1x1024xf32> to vector<1x1024xf32>
    %sub3A = arith.subf %get3A_13, %get3A_3 : vector<1x1024xf32>
    %max3A = arith.constant 0.000000e+00 : f32
    %max3A_19 = vector.broadcast %max3A : f32 to vector<1x1024xf32>
    %max3A_20 = arith.maximumf %sub3A, %max3A_19 : vector<1x1024xf32>
    %sub3A_21 = arith.subf %get3A_18, %get3A_8 : vector<1x1024xf32>
    %max3A_22 = arith.constant 0.000000e+00 : f32
    %max3A_23 = vector.broadcast %max3A_22 : f32 to vector<1x1024xf32>
    %max3A_24 = arith.maximumf %sub3A_21, %max3A_23 : vector<1x1024xf32>
    %mul3A = arith.mulf %max3A_20, %max3A_24 : vector<1x1024xf32>
    %broadcast_in_dim3A = arith.constant 0.000000e+00 : f32
    %broadcast_in_dim3A_25 = vector.broadcast %broadcast_in_dim3A : f32 to vector<1x256x8xf32>
    %swap3A = arith.constant 0 : index
    %swap3A_26 = arith.constant 0 : index
    %swap3A_27 = arith.constant 0 : index
    %swap3A_28 = vector.load %arg4[%swap3A, %swap3A_26, %swap3A_27] : memref<1x256x8xf32, #tpu.memory_space<vmem>>, vector<1x256x8xf32>
    tpu.vector_store %arg4[%swap3A, %swap3A_26, %swap3A_27], %broadcast_in_dim3A_25 {strides = array<i32>} : memref<1x256x8xf32, #tpu.memory_space<vmem>>, vector<1x256x8xf32>,
    %iota3A = tpu.iota {dimensions = array<i32: 1>} : vector<1x1024xi32>
    %iota3A_29 = tpu.iota {dimensions = array<i32: 0>} : vector<8x1xi32>
    %broadcast_in_dim3A_30 = arith.constant 0.000000e+00 : f32
    %broadcast_in_dim3A_31 = vector.broadcast %broadcast_in_dim3A_30 : f32 to vector<1x1024xf32>
    %while3A = arith.constant 0 : i32
    %while3A_32 = arith.constant 0 : i32
    %while3A_33:3 = scf.while (%while3A_39 = %while3A, %while3A_40 = %broadcast_in_dim3A_31, %while3A_41 = %while3A_32) : (i32, vector<1x1024xf32>, i32) -> (i32, vector<1x1024xf32>, i32) {
      %lt3A = arith.constant 128 : i32
      %lt3A_42 = arith.cmpi slt, %while3A_39, %lt3A : i32
      %lt3A_43 = arith.constant 256 : i32
      %lt3A_44 = arith.cmpi slt, %while3A_41, %lt3A_43 : i32
      %and3A = arith.andi %lt3A_42, %lt3A_44 : i1
      scf.condition(%and3A) %while3A_39, %while3A_40, %while3A_41 : i32, vector<1x1024xf32>, i32
    } do {
    ^bb0(%while3A_39: i32, %while3A_40: vector<1x1024xf32>, %while3A_41: i32):
      %mul3A_42 = arith.constant 8 : i32
      %mul3A_43 = arith.muli %while3A_39, %mul3A_42 : i32
      %get3A_44 = arith.constant 0 : index
      %get3A_45 = arith.index_cast %mul3A_43 : i32 to index
      %get3A_46 = arith.constant 0 : index
      %get3A_47 = vector.load %arg2[%get3A_44, %get3A_45, %get3A_46] : memref<1x1024x8xf32, #tpu.memory_space<vmem>>, vector<1x8x8xf32>
      %get3A_48 = vector.shape_cast %get3A_47 : vector<1x8x8xf32> to vector<8x8xf32>
      %slice3A = vector.extract_strided_slice %get3A_48 {offsets = [0, 0], sizes = [8, 1], strides = [1, 1]} : vector<8x8xf32> to vector<8x1xf32>
      %slice3A_49 = vector.extract_strided_slice %get3A_48 {offsets = [0, 1], sizes = [8, 1], strides = [1, 1]} : vector<8x8xf32> to vector<8x1xf32>
      %slice3A_50 = vector.extract_strided_slice %get3A_48 {offsets = [0, 2], sizes = [8, 1], strides = [1, 1]} : vector<8x8xf32> to vector<8x1xf32>
      %slice3A_51 = vector.extract_strided_slice %get3A_48 {offsets = [0, 3], sizes = [8, 1], strides = [1, 1]} : vector<8x8xf32> to vector<8x1xf32>
      %sub3A_52 = arith.subf %slice3A_50, %slice3A : vector<8x1xf32>
      %max3A_53 = arith.constant 0.000000e+00 : f32
      %max3A_54 = vector.broadcast %max3A_53 : f32 to vector<8x1xf32>
      %max3A_55 = arith.maximumf %sub3A_52, %max3A_54 : vector<8x1xf32>
      %sub3A_56 = arith.subf %slice3A_51, %slice3A_49 : vector<8x1xf32>
      %max3A_57 = arith.constant 0.000000e+00 : f32
      %max3A_58 = vector.broadcast %max3A_57 : f32 to vector<8x1xf32>
      %max3A_59 = arith.maximumf %sub3A_56, %max3A_58 : vector<8x1xf32>
      %mul3A_60 = arith.mulf %max3A_55, %max3A_59 : vector<8x1xf32>
      %max3A_61 = vector.broadcast %slice3A : vector<8x1xf32> to vector<8x1024xf32>
      %max3A_62 = vector.broadcast %get3A_3 : vector<1x1024xf32> to vector<8x1024xf32>
      %max3A_63 = arith.maximumf %max3A_61, %max3A_62 : vector<8x1024xf32>
      %max3A_64 = vector.broadcast %slice3A_49 : vector<8x1xf32> to vector<8x1024xf32>
      %max3A_65 = vector.broadcast %get3A_8 : vector<1x1024xf32> to vector<8x1024xf32>
      %max3A_66 = arith.maximumf %max3A_64, %max3A_65 : vector<8x1024xf32>
      %min3A_67 = vector.broadcast %slice3A_50 : vector<8x1xf32> to vector<8x1024xf32>
      %min3A_68 = vector.broadcast %get3A_13 : vector<1x1024xf32> to vector<8x1024xf32>
      %min3A_69 = arith.minimumf %min3A_67, %min3A_68 : vector<8x1024xf32>
      %min3A_70 = vector.broadcast %slice3A_51 : vector<8x1xf32> to vector<8x1024xf32>
      %min3A_71 = vector.broadcast %get3A_18 : vector<1x1024xf32> to vector<8x1024xf32>
      %min3A_72 = arith.minimumf %min3A_70, %min3A_71 : vector<8x1024xf32>
      %sub3A_73 = arith.subf %min3A_69, %max3A_63 : vector<8x1024xf32>
      %max3A_74 = arith.constant 0.000000e+00 : f32
      %max3A_75 = vector.broadcast %max3A_74 : f32 to vector<8x1024xf32>
      %max3A_76 = arith.maximumf %sub3A_73, %max3A_75 : vector<8x1024xf32>
      %sub3A_77 = arith.subf %min3A_72, %max3A_66 : vector<8x1024xf32>
      %max3A_78 = arith.constant 0.000000e+00 : f32
      %max3A_79 = vector.broadcast %max3A_78 : f32 to vector<8x1024xf32>
      %max3A_80 = arith.maximumf %sub3A_77, %max3A_79 : vector<8x1024xf32>
      %mul3A_81 = arith.mulf %max3A_76, %max3A_80 : vector<8x1024xf32>
      %add3A = vector.broadcast %mul3A_60 : vector<8x1xf32> to vector<8x1024xf32>
      %add3A_82 = vector.broadcast %mul3A : vector<1x1024xf32> to vector<8x1024xf32>
      %add3A_83 = arith.addf %add3A, %add3A_82 : vector<8x1024xf32>
      %sub3A_84 = arith.subf %add3A_83, %mul3A_81 : vector<8x1024xf32>
      %max3A_85 = arith.constant 9.99999993E-9 : f32
      %max3A_86 = vector.broadcast %max3A_85 : f32 to vector<8x1024xf32>
      %max3A_87 = arith.maximumf %sub3A_84, %max3A_86 : vector<8x1024xf32>
      %div3A = arith.divf %mul3A_81, %max3A_87 : vector<8x1024xf32>
      %gt3A = arith.constant 0.699999988 : f32
      %gt3A_88 = vector.broadcast %gt3A : f32 to vector<8x1024xf32>
      %gt3A_89 = arith.cmpf ogt, %div3A, %gt3A_88 : vector<8x1024xf32>
      %convert_element_type3A = arith.extui %gt3A_89 : vector<8x1024xi1> to vector<8x1024xi32>
      %convert_element_type3A_90 = arith.sitofp %convert_element_type3A : vector<8x1024xi32> to vector<8x1024xf32>
      %mul3A_91 = vector.broadcast %while3A_40 : vector<1x1024xf32> to vector<8x1024xf32>
      %mul3A_92 = arith.mulf %convert_element_type3A_90, %mul3A_91 : vector<8x1024xf32>
      %reduce_max3A = arith.constant dense<0xFF800000> : vector<8xf32>
      %reduce_max3A_93 = vector.multi_reduction <maximumf>, %mul3A_92, %reduce_max3A [1] : vector<8x1024xf32> to vector<8xf32>
      %broadcast_in_dim3A_94 = vector.shape_cast %reduce_max3A_93 : vector<8xf32> to vector<8x1xf32>
      %transpose3A = tpu.transpose %get3A_48, [1, 0] : vector<8x8xf32> -> vector<8x8xf32>
      %slice3A_95 = vector.extract_strided_slice %transpose3A {offsets = [0, 0], sizes = [1, 8], strides = [1, 1]} : vector<8x8xf32> to vector<1x8xf32>
      %max3A_96 = vector.broadcast %slice3A : vector<8x1xf32> to vector<8x8xf32>
      %max3A_97 = vector.broadcast %slice3A_95 : vector<1x8xf32> to vector<8x8xf32>
      %max3A_98 = arith.maximumf %max3A_96, %max3A_97 : vector<8x8xf32>
      %slice3A_99 = vector.extract_strided_slice %transpose3A {offsets = [1, 0], sizes = [1, 8], strides = [1, 1]} : vector<8x8xf32> to vector<1x8xf32>
      %max3A_100 = vector.broadcast %slice3A_49 : vector<8x1xf32> to vector<8x8xf32>
      %max3A_101 = vector.broadcast %slice3A_99 : vector<1x8xf32> to vector<8x8xf32>
      %max3A_102 = arith.maximumf %max3A_100, %max3A_101 : vector<8x8xf32>
      %slice3A_103 = vector.extract_strided_slice %transpose3A {offsets = [2, 0], sizes = [1, 8], strides = [1, 1]} : vector<8x8xf32> to vector<1x8xf32>
      %min3A_104 = vector.broadcast %slice3A_50 : vector<8x1xf32> to vector<8x8xf32>
      %min3A_105 = vector.broadcast %slice3A_103 : vector<1x8xf32> to vector<8x8xf32>
      %min3A_106 = arith.minimumf %min3A_104, %min3A_105 : vector<8x8xf32>
      %slice3A_107 = vector.extract_strided_slice %transpose3A {offsets = [3, 0], sizes = [1, 8], strides = [1, 1]} : vector<8x8xf32> to vector<1x8xf32>
      %min3A_108 = vector.broadcast %slice3A_51 : vector<8x1xf32> to vector<8x8xf32>
      %min3A_109 = vector.broadcast %slice3A_107 : vector<1x8xf32> to vector<8x8xf32>
      %min3A_110 = arith.minimumf %min3A_108, %min3A_109 : vector<8x8xf32>
      %sub3A_111 = arith.subf %min3A_106, %max3A_98 : vector<8x8xf32>
      %max3A_112 = arith.constant 0.000000e+00 : f32
      %max3A_113 = vector.broadcast %max3A_112 : f32 to vector<8x8xf32>
      %max3A_114 = arith.maximumf %sub3A_111, %max3A_113 : vector<8x8xf32>
      %sub3A_115 = arith.subf %min3A_110, %max3A_102 : vector<8x8xf32>
      %max3A_116 = arith.constant 0.000000e+00 : f32
      %max3A_117 = vector.broadcast %max3A_116 : f32 to vector<8x8xf32>
      %max3A_118 = arith.maximumf %sub3A_115, %max3A_117 : vector<8x8xf32>
      %mul3A_119 = arith.mulf %max3A_114, %max3A_118 : vector<8x8xf32>
      %transpose3A_120 = tpu.transpose %mul3A_60, [1, 0] : vector<8x1xf32> -> vector<1x8xf32>
      %add3A_121 = vector.broadcast %mul3A_60 : vector<8x1xf32> to vector<8x8xf32>
      %add3A_122 = vector.broadcast %transpose3A_120 : vector<1x8xf32> to vector<8x8xf32>
      %add3A_123 = arith.addf %add3A_121, %add3A_122 : vector<8x8xf32>
      %sub3A_124 = arith.subf %add3A_123, %mul3A_119 : vector<8x8xf32>
      %max3A_125 = arith.constant 9.99999993E-9 : f32
      %max3A_126 = vector.broadcast %max3A_125 : f32 to vector<8x8xf32>
      %max3A_127 = arith.maximumf %sub3A_124, %max3A_126 : vector<8x8xf32>
      %div3A_128 = arith.divf %mul3A_119, %max3A_127 : vector<8x8xf32>
      %gt3A_129 = arith.constant 0.699999988 : f32
      %gt3A_130 = vector.broadcast %gt3A_129 : f32 to vector<8x8xf32>
      %gt3A_131 = arith.cmpf ogt, %div3A_128, %gt3A_130 : vector<8x8xf32>
      %convert_element_type3A_132 = arith.extui %gt3A_131 : vector<8x8xi1> to vector<8x8xi32>
      %convert_element_type3A_133 = arith.sitofp %convert_element_type3A_132 : vector<8x8xi32> to vector<8x8xf32>
      %broadcast_in_dim3A_134 = arith.constant 0.000000e+00 : f32
      %broadcast_in_dim3A_135 = vector.broadcast %broadcast_in_dim3A_134 : f32 to vector<8x1xf32>
      %slice3A_136 = vector.extract_strided_slice %convert_element_type3A_133 {offsets = [0, 0], sizes = [8, 1], strides = [1, 1]} : vector<8x8xf32> to vector<8x1xf32>
      %mul3A_137 = arith.mulf %broadcast_in_dim3A_135, %slice3A_136 : vector<8x1xf32>
      %reduce_max3A_138 = vector.shape_cast %mul3A_137 : vector<8x1xf32> to vector<1x8x1xf32>
      %reduce_max3A_139 = arith.constant dense<0xFF800000> : vector<1xf32>
      %reduce_max3A_140 = vector.multi_reduction <maximumf>, %reduce_max3A_138, %reduce_max3A_139 [1, 2] : vector<1x8x1xf32> to vector<1xf32>
      %reduce_max3A_141 = vector.shape_cast %reduce_max3A_140 : vector<1xf32> to vector<1x1x1xf32>
      %reduce_max3A_142 = vector.extract %reduce_max3A_141[0, 0, 0] : f32 from vector<1x1x1xf32>
      %slice3A_143 = vector.extract_strided_slice %broadcast_in_dim3A_94 {offsets = [0, 0], sizes = [1, 1], strides = [1, 1]} : vector<8x1xf32> to vector<1x1xf32>
      %squeeze3A = vector.extract %slice3A_143[0, 0] : f32 from vector<1x1xf32>
      %le3A = arith.constant 0.000000e+00 : f32
      %le3A_144 = arith.cmpf ole, %squeeze3A, %le3A : f32
      %le3A_145 = arith.constant 0.000000e+00 : f32
      %le3A_146 = arith.cmpf ole, %reduce_max3A_142, %le3A_145 : f32
      %and3A = arith.andi %le3A_144, %le3A_146 : i1
      %add3A_147 = arith.constant 0 : i32
      %add3A_148 = arith.addi %mul3A_43, %add3A_147 : i32
      %get3A_149 = arith.constant 0 : index
      %get3A_150 = arith.constant 0 : index
      %get3A_151 = arith.index_cast %add3A_148 : i32 to index
      %get3A_152 = memref.load %arg3[%get3A_149, %get3A_150, %get3A_151] : memref<1x1x1024xf32, #tpu.memory_space<smem>>
      %gt3A_153 = arith.constant 1.000000e-01 : f32
      %gt3A_154 = arith.cmpf ogt, %get3A_152, %gt3A_153 : f32
      %and3A_155 = arith.andi %and3A, %gt3A_154 : i1
      %eq3A = arith.constant 0 : i32
      %eq3A_156 = vector.broadcast %eq3A : i32 to vector<8x1xi32>
      %eq3A_157 = arith.cmpi eq, %iota3A_29, %eq3A_156 : vector<8x1xi32>
      %and3A_158 = vector.broadcast %and3A_155 : i1 to vector<8x1xi1>
      %and3A_159 = arith.andi %eq3A_157, %and3A_158 : vector<8x1xi1>
      %jit3A = arith.constant 1.000000e+00 : f32
      %broadcast_in_dim3A_160 = vector.broadcast %jit3A : f32 to vector<8x1xf32>
      %select_n3A = arith.select %and3A_159, %broadcast_in_dim3A_160, %broadcast_in_dim3A_135 : vector<8x1xi1>, vector<8x1xf32>
      %add3A_161 = arith.constant 0 : i32
      %add3A_162 = arith.addi %mul3A_43, %add3A_161 : i32
      %eq3A_163 = vector.broadcast %add3A_162 : i32 to vector<1x1024xi32>
      %eq3A_164 = arith.cmpi eq, %iota3A, %eq3A_163 : vector<1x1024xi32>
      %and3A_165 = vector.broadcast %and3A_155 : i1 to vector<1x1024xi1>
      %and3A_166 = arith.andi %eq3A_164, %and3A_165 : vector<1x1024xi1>
      %jit3A_167 = arith.constant 1.000000e+00 : f32
      %broadcast_in_dim3A_168 = vector.broadcast %jit3A_167 : f32 to vector<1x1024xf32>
      %select_n3A_169 = arith.select %and3A_166, %broadcast_in_dim3A_168, %while3A_40 : vector<1x1024xi1>, vector<1x1024xf32>
      %lt3A = arith.constant 256 : i32
      %lt3A_170 = arith.cmpi slt, %while3A_41, %lt3A : i32
      %and3A_171 = arith.andi %and3A_155, %lt3A_170 : i1
      %convert_element_type3A_172 = arith.extui %and3A_171 : i1 to i32
      %cond3A = arith.constant 0 : i32
      %cond3A_173 = arith.cmpi ne, %convert_element_type3A_172, %cond3A : i32
      scf.if %cond3A_173 {
        %add3A_514 = arith.constant 0 : i32
        %add3A_515 = arith.addi %mul3A_43, %add3A_514 : i32
        %get3A_516 = arith.constant 0 : index
        %get3A_517 = arith.index_cast %add3A_515 : i32 to index
        %get3A_518 = arith.constant 0 : index
        %get3A_519 = vector.load %arg2[%get3A_516, %get3A_517, %get3A_518] : memref<1x1024x8xf32, #tpu.memory_space<vmem>>, vector<1x1x8xf32>
        %get3A_520 = vector.shape_cast %get3A_519 : vector<1x1x8xf32> to vector<1x8xf32>
        %swap3A_521 = arith.constant 0 : index
        %swap3A_522 = arith.index_cast %while3A_41 : i32 to index
        %swap3A_523 = arith.constant 0 : index
        %swap3A_524 = vector.load %arg4[%swap3A_521, %swap3A_522, %swap3A_523] : memref<1x256x8xf32, #tpu.memory_space<vmem>>, vector<1x1x8xf32>
        %swap3A_525 = vector.shape_cast %swap3A_524 : vector<1x1x8xf32> to vector<1x8xf32>
        %swap3A_526 = vector.shape_cast %get3A_520 : vector<1x8xf32> to vector<1x1x8xf32>
        tpu.vector_store %arg4[%swap3A_521, %swap3A_522, %swap3A_523], %swap3A_526 {strides = array<i32>} : memref<1x256x8xf32, #tpu.memory_space<vmem>>, vector<1x1x8xf32>,
      } else {
      }
      %convert_element_type3A_174 = arith.extui %and3A_155 : i1 to i32
      %add3A_175 = arith.addi %while3A_41, %convert_element_type3A_174 : i32
      %slice3A_176 = vector.extract_strided_slice %convert_element_type3A_133 {offsets = [0, 1], sizes = [8, 1], strides = [1, 1]} : vector<8x8xf32> to vector<8x1xf32>
      %mul3A_177 = arith.mulf %select_n3A, %slice3A_176 : vector<8x1xf32>
      %reduce_max3A_178 = vector.shape_cast %mul3A_177 : vector<8x1xf32> to vector<1x8x1xf32>
      %reduce_max3A_179 = arith.constant dense<0xFF800000> : vector<1xf32>
      %reduce_max3A_180 = vector.multi_reduction <maximumf>, %reduce_max3A_178, %reduce_max3A_179 [1, 2] : vector<1x8x1xf32> to vector<1xf32>
      %reduce_max3A_181 = vector.shape_cast %reduce_max3A_180 : vector<1xf32> to vector<1x1x1xf32>
      %reduce_max3A_182 = vector.extract %reduce_max3A_181[0, 0, 0] : f32 from vector<1x1x1xf32>
      %slice3A_183 = vector.extract_strided_slice %broadcast_in_dim3A_94 {offsets = [1, 0], sizes = [1, 1], strides = [1, 1]} : vector<8x1xf32> to vector<1x1xf32>
      %squeeze3A_184 = vector.extract %slice3A_183[0, 0] : f32 from vector<1x1xf32>
      %le3A_185 = arith.constant 0.000000e+00 : f32
      %le3A_186 = arith.cmpf ole, %squeeze3A_184, %le3A_185 : f32
      %le3A_187 = arith.constant 0.000000e+00 : f32
      %le3A_188 = arith.cmpf ole, %reduce_max3A_182, %le3A_187 : f32
      %and3A_189 = arith.andi %le3A_186, %le3A_188 : i1
      %add3A_190 = arith.constant 1 : i32
      %add3A_191 = arith.addi %mul3A_43, %add3A_190 : i32
      %get3A_192 = arith.constant 0 : index
      %get3A_193 = arith.constant 0 : index
      %get3A_194 = arith.index_cast %add3A_191 : i32 to index
      %get3A_195 = memref.load %arg3[%get3A_192, %get3A_193, %get3A_194] : memref<1x1x1024xf32, #tpu.memory_space<smem>>
      %gt3A_196 = arith.constant 1.000000e-01 : f32
      %gt3A_197 = arith.cmpf ogt, %get3A_195, %gt3A_196 : f32
      %and3A_198 = arith.andi %and3A_189, %gt3A_197 : i1
      %eq3A_199 = arith.constant 1 : i32
      %eq3A_200 = vector.broadcast %eq3A_199 : i32 to vector<8x1xi32>
      %eq3A_201 = arith.cmpi eq, %iota3A_29, %eq3A_200 : vector<8x1xi32>
      %and3A_202 = vector.broadcast %and3A_198 : i1 to vector<8x1xi1>
      %and3A_203 = arith.andi %eq3A_201, %and3A_202 : vector<8x1xi1>
      %jit3A_204 = arith.constant 1.000000e+00 : f32
      %broadcast_in_dim3A_205 = vector.broadcast %jit3A_204 : f32 to vector<8x1xf32>
      %select_n3A_206 = arith.select %and3A_203, %broadcast_in_dim3A_205, %select_n3A : vector<8x1xi1>, vector<8x1xf32>
      %add3A_207 = arith.constant 1 : i32
      %add3A_208 = arith.addi %mul3A_43, %add3A_207 : i32
      %eq3A_209 = vector.broadcast %add3A_208 : i32 to vector<1x1024xi32>
      %eq3A_210 = arith.cmpi eq, %iota3A, %eq3A_209 : vector<1x1024xi32>
      %and3A_211 = vector.broadcast %and3A_198 : i1 to vector<1x1024xi1>
      %and3A_212 = arith.andi %eq3A_210, %and3A_211 : vector<1x1024xi1>
      %jit3A_213 = arith.constant 1.000000e+00 : f32
      %broadcast_in_dim3A_214 = vector.broadcast %jit3A_213 : f32 to vector<1x1024xf32>
      %select_n3A_215 = arith.select %and3A_212, %broadcast_in_dim3A_214, %select_n3A_169 : vector<1x1024xi1>, vector<1x1024xf32>
      %lt3A_216 = arith.constant 256 : i32
      %lt3A_217 = arith.cmpi slt, %add3A_175, %lt3A_216 : i32
      %and3A_218 = arith.andi %and3A_198, %lt3A_217 : i1
      %convert_element_type3A_219 = arith.extui %and3A_218 : i1 to i32
      %cond3A_220 = arith.constant 0 : i32
      %cond3A_221 = arith.cmpi ne, %convert_element_type3A_219, %cond3A_220 : i32
      scf.if %cond3A_221 {
        %add3A_514 = arith.constant 1 : i32
        %add3A_515 = arith.addi %mul3A_43, %add3A_514 : i32
        %get3A_516 = arith.constant 0 : index
        %get3A_517 = arith.index_cast %add3A_515 : i32 to index
        %get3A_518 = arith.constant 0 : index
        %get3A_519 = vector.load %arg2[%get3A_516, %get3A_517, %get3A_518] : memref<1x1024x8xf32, #tpu.memory_space<vmem>>, vector<1x1x8xf32>
        %get3A_520 = vector.shape_cast %get3A_519 : vector<1x1x8xf32> to vector<1x8xf32>
        %swap3A_521 = arith.constant 0 : index
        %swap3A_522 = arith.index_cast %add3A_175 : i32 to index
        %swap3A_523 = arith.constant 0 : index
        %swap3A_524 = vector.load %arg4[%swap3A_521, %swap3A_522, %swap3A_523] : memref<1x256x8xf32, #tpu.memory_space<vmem>>, vector<1x1x8xf32>
        %swap3A_525 = vector.shape_cast %swap3A_524 : vector<1x1x8xf32> to vector<1x8xf32>
        %swap3A_526 = vector.shape_cast %get3A_520 : vector<1x8xf32> to vector<1x1x8xf32>
        tpu.vector_store %arg4[%swap3A_521, %swap3A_522, %swap3A_523], %swap3A_526 {strides = array<i32>} : memref<1x256x8xf32, #tpu.memory_space<vmem>>, vector<1x1x8xf32>,
      } else {
      }
      %convert_element_type3A_222 = arith.extui %and3A_198 : i1 to i32
      %add3A_223 = arith.addi %add3A_175, %convert_element_type3A_222 : i32
      %slice3A_224 = vector.extract_strided_slice %convert_element_type3A_133 {offsets = [0, 2], sizes = [8, 1], strides = [1, 1]} : vector<8x8xf32> to vector<8x1xf32>
      %mul3A_225 = arith.mulf %select_n3A_206, %slice3A_224 : vector<8x1xf32>
      %reduce_max3A_226 = vector.shape_cast %mul3A_225 : vector<8x1xf32> to vector<1x8x1xf32>
      %reduce_max3A_227 = arith.constant dense<0xFF800000> : vector<1xf32>
      %reduce_max3A_228 = vector.multi_reduction <maximumf>, %reduce_max3A_226, %reduce_max3A_227 [1, 2] : vector<1x8x1xf32> to vector<1xf32>
      %reduce_max3A_229 = vector.shape_cast %reduce_max3A_228 : vector<1xf32> to vector<1x1x1xf32>
      %reduce_max3A_230 = vector.extract %reduce_max3A_229[0, 0, 0] : f32 from vector<1x1x1xf32>
      %slice3A_231 = vector.extract_strided_slice %broadcast_in_dim3A_94 {offsets = [2, 0], sizes = [1, 1], strides = [1, 1]} : vector<8x1xf32> to vector<1x1xf32>
      %squeeze3A_232 = vector.extract %slice3A_231[0, 0] : f32 from vector<1x1xf32>
      %le3A_233 = arith.constant 0.000000e+00 : f32
      %le3A_234 = arith.cmpf ole, %squeeze3A_232, %le3A_233 : f32
      %le3A_235 = arith.constant 0.000000e+00 : f32
      %le3A_236 = arith.cmpf ole, %reduce_max3A_230, %le3A_235 : f32
      %and3A_237 = arith.andi %le3A_234, %le3A_236 : i1
      %add3A_238 = arith.constant 2 : i32
      %add3A_239 = arith.addi %mul3A_43, %add3A_238 : i32
      %get3A_240 = arith.constant 0 : index
      %get3A_241 = arith.constant 0 : index
      %get3A_242 = arith.index_cast %add3A_239 : i32 to index
      %get3A_243 = memref.load %arg3[%get3A_240, %get3A_241, %get3A_242] : memref<1x1x1024xf32, #tpu.memory_space<smem>>
      %gt3A_244 = arith.constant 1.000000e-01 : f32
      %gt3A_245 = arith.cmpf ogt, %get3A_243, %gt3A_244 : f32
      %and3A_246 = arith.andi %and3A_237, %gt3A_245 : i1
      %eq3A_247 = arith.constant 2 : i32
      %eq3A_248 = vector.broadcast %eq3A_247 : i32 to vector<8x1xi32>
      %eq3A_249 = arith.cmpi eq, %iota3A_29, %eq3A_248 : vector<8x1xi32>
      %and3A_250 = vector.broadcast %and3A_246 : i1 to vector<8x1xi1>
      %and3A_251 = arith.andi %eq3A_249, %and3A_250 : vector<8x1xi1>
      %jit3A_252 = arith.constant 1.000000e+00 : f32
      %broadcast_in_dim3A_253 = vector.broadcast %jit3A_252 : f32 to vector<8x1xf32>
      %select_n3A_254 = arith.select %and3A_251, %broadcast_in_dim3A_253, %select_n3A_206 : vector<8x1xi1>, vector<8x1xf32>
      %add3A_255 = arith.constant 2 : i32
      %add3A_256 = arith.addi %mul3A_43, %add3A_255 : i32
      %eq3A_257 = vector.broadcast %add3A_256 : i32 to vector<1x1024xi32>
      %eq3A_258 = arith.cmpi eq, %iota3A, %eq3A_257 : vector<1x1024xi32>
      %and3A_259 = vector.broadcast %and3A_246 : i1 to vector<1x1024xi1>
      %and3A_260 = arith.andi %eq3A_258, %and3A_259 : vector<1x1024xi1>
      %jit3A_261 = arith.constant 1.000000e+00 : f32
      %broadcast_in_dim3A_262 = vector.broadcast %jit3A_261 : f32 to vector<1x1024xf32>
      %select_n3A_263 = arith.select %and3A_260, %broadcast_in_dim3A_262, %select_n3A_215 : vector<1x1024xi1>, vector<1x1024xf32>
      %lt3A_264 = arith.constant 256 : i32
      %lt3A_265 = arith.cmpi slt, %add3A_223, %lt3A_264 : i32
      %and3A_266 = arith.andi %and3A_246, %lt3A_265 : i1
      %convert_element_type3A_267 = arith.extui %and3A_266 : i1 to i32
      %cond3A_268 = arith.constant 0 : i32
      %cond3A_269 = arith.cmpi ne, %convert_element_type3A_267, %cond3A_268 : i32
      scf.if %cond3A_269 {
        %add3A_514 = arith.constant 2 : i32
        %add3A_515 = arith.addi %mul3A_43, %add3A_514 : i32
        %get3A_516 = arith.constant 0 : index
        %get3A_517 = arith.index_cast %add3A_515 : i32 to index
        %get3A_518 = arith.constant 0 : index
        %get3A_519 = vector.load %arg2[%get3A_516, %get3A_517, %get3A_518] : memref<1x1024x8xf32, #tpu.memory_space<vmem>>, vector<1x1x8xf32>
        %get3A_520 = vector.shape_cast %get3A_519 : vector<1x1x8xf32> to vector<1x8xf32>
        %swap3A_521 = arith.constant 0 : index
        %swap3A_522 = arith.index_cast %add3A_223 : i32 to index
        %swap3A_523 = arith.constant 0 : index
        %swap3A_524 = vector.load %arg4[%swap3A_521, %swap3A_522, %swap3A_523] : memref<1x256x8xf32, #tpu.memory_space<vmem>>, vector<1x1x8xf32>
        %swap3A_525 = vector.shape_cast %swap3A_524 : vector<1x1x8xf32> to vector<1x8xf32>
        %swap3A_526 = vector.shape_cast %get3A_520 : vector<1x8xf32> to vector<1x1x8xf32>
        tpu.vector_store %arg4[%swap3A_521, %swap3A_522, %swap3A_523], %swap3A_526 {strides = array<i32>} : memref<1x256x8xf32, #tpu.memory_space<vmem>>, vector<1x1x8xf32>,
      } else {
      }
      %convert_element_type3A_270 = arith.extui %and3A_246 : i1 to i32
      %add3A_271 = arith.addi %add3A_223, %convert_element_type3A_270 : i32
      %slice3A_272 = vector.extract_strided_slice %convert_element_type3A_133 {offsets = [0, 3], sizes = [8, 1], strides = [1, 1]} : vector<8x8xf32> to vector<8x1xf32>
      %mul3A_273 = arith.mulf %select_n3A_254, %slice3A_272 : vector<8x1xf32>
      %reduce_max3A_274 = vector.shape_cast %mul3A_273 : vector<8x1xf32> to vector<1x8x1xf32>
      %reduce_max3A_275 = arith.constant dense<0xFF800000> : vector<1xf32>
      %reduce_max3A_276 = vector.multi_reduction <maximumf>, %reduce_max3A_274, %reduce_max3A_275 [1, 2] : vector<1x8x1xf32> to vector<1xf32>
      %reduce_max3A_277 = vector.shape_cast %reduce_max3A_276 : vector<1xf32> to vector<1x1x1xf32>
      %reduce_max3A_278 = vector.extract %reduce_max3A_277[0, 0, 0] : f32 from vector<1x1x1xf32>
      %slice3A_279 = vector.extract_strided_slice %broadcast_in_dim3A_94 {offsets = [3, 0], sizes = [1, 1], strides = [1, 1]} : vector<8x1xf32> to vector<1x1xf32>
      %squeeze3A_280 = vector.extract %slice3A_279[0, 0] : f32 from vector<1x1xf32>
      %le3A_281 = arith.constant 0.000000e+00 : f32
      %le3A_282 = arith.cmpf ole, %squeeze3A_280, %le3A_281 : f32
      %le3A_283 = arith.constant 0.000000e+00 : f32
      %le3A_284 = arith.cmpf ole, %reduce_max3A_278, %le3A_283 : f32
      %and3A_285 = arith.andi %le3A_282, %le3A_284 : i1
      %add3A_286 = arith.constant 3 : i32
      %add3A_287 = arith.addi %mul3A_43, %add3A_286 : i32
      %get3A_288 = arith.constant 0 : index
      %get3A_289 = arith.constant 0 : index
      %get3A_290 = arith.index_cast %add3A_287 : i32 to index
      %get3A_291 = memref.load %arg3[%get3A_288, %get3A_289, %get3A_290] : memref<1x1x1024xf32, #tpu.memory_space<smem>>
      %gt3A_292 = arith.constant 1.000000e-01 : f32
      %gt3A_293 = arith.cmpf ogt, %get3A_291, %gt3A_292 : f32
      %and3A_294 = arith.andi %and3A_285, %gt3A_293 : i1
      %eq3A_295 = arith.constant 3 : i32
      %eq3A_296 = vector.broadcast %eq3A_295 : i32 to vector<8x1xi32>
      %eq3A_297 = arith.cmpi eq, %iota3A_29, %eq3A_296 : vector<8x1xi32>
      %and3A_298 = vector.broadcast %and3A_294 : i1 to vector<8x1xi1>
      %and3A_299 = arith.andi %eq3A_297, %and3A_298 : vector<8x1xi1>
      %jit3A_300 = arith.constant 1.000000e+00 : f32
      %broadcast_in_dim3A_301 = vector.broadcast %jit3A_300 : f32 to vector<8x1xf32>
      %select_n3A_302 = arith.select %and3A_299, %broadcast_in_dim3A_301, %select_n3A_254 : vector<8x1xi1>, vector<8x1xf32>
      %add3A_303 = arith.constant 3 : i32
      %add3A_304 = arith.addi %mul3A_43, %add3A_303 : i32
      %eq3A_305 = vector.broadcast %add3A_304 : i32 to vector<1x1024xi32>
      %eq3A_306 = arith.cmpi eq, %iota3A, %eq3A_305 : vector<1x1024xi32>
      %and3A_307 = vector.broadcast %and3A_294 : i1 to vector<1x1024xi1>
      %and3A_308 = arith.andi %eq3A_306, %and3A_307 : vector<1x1024xi1>
      %jit3A_309 = arith.constant 1.000000e+00 : f32
      %broadcast_in_dim3A_310 = vector.broadcast %jit3A_309 : f32 to vector<1x1024xf32>
      %select_n3A_311 = arith.select %and3A_308, %broadcast_in_dim3A_310, %select_n3A_263 : vector<1x1024xi1>, vector<1x1024xf32>
      %lt3A_312 = arith.constant 256 : i32
      %lt3A_313 = arith.cmpi slt, %add3A_271, %lt3A_312 : i32
      %and3A_314 = arith.andi %and3A_294, %lt3A_313 : i1
      %convert_element_type3A_315 = arith.extui %and3A_314 : i1 to i32
      %cond3A_316 = arith.constant 0 : i32
      %cond3A_317 = arith.cmpi ne, %convert_element_type3A_315, %cond3A_316 : i32
      scf.if %cond3A_317 {
        %add3A_514 = arith.constant 3 : i32
        %add3A_515 = arith.addi %mul3A_43, %add3A_514 : i32
        %get3A_516 = arith.constant 0 : index
        %get3A_517 = arith.index_cast %add3A_515 : i32 to index
        %get3A_518 = arith.constant 0 : index
        %get3A_519 = vector.load %arg2[%get3A_516, %get3A_517, %get3A_518] : memref<1x1024x8xf32, #tpu.memory_space<vmem>>, vector<1x1x8xf32>
        %get3A_520 = vector.shape_cast %get3A_519 : vector<1x1x8xf32> to vector<1x8xf32>
        %swap3A_521 = arith.constant 0 : index
        %swap3A_522 = arith.index_cast %add3A_271 : i32 to index
        %swap3A_523 = arith.constant 0 : index
        %swap3A_524 = vector.load %arg4[%swap3A_521, %swap3A_522, %swap3A_523] : memref<1x256x8xf32, #tpu.memory_space<vmem>>, vector<1x1x8xf32>
        %swap3A_525 = vector.shape_cast %swap3A_524 : vector<1x1x8xf32> to vector<1x8xf32>
        %swap3A_526 = vector.shape_cast %get3A_520 : vector<1x8xf32> to vector<1x1x8xf32>
        tpu.vector_store %arg4[%swap3A_521, %swap3A_522, %swap3A_523], %swap3A_526 {strides = array<i32>} : memref<1x256x8xf32, #tpu.memory_space<vmem>>, vector<1x1x8xf32>,
      } else {
      }
      %convert_element_type3A_318 = arith.extui %and3A_294 : i1 to i32
      %add3A_319 = arith.addi %add3A_271, %convert_element_type3A_318 : i32
      %slice3A_320 = vector.extract_strided_slice %convert_element_type3A_133 {offsets = [0, 4], sizes = [8, 1], strides = [1, 1]} : vector<8x8xf32> to vector<8x1xf32>
      %mul3A_321 = arith.mulf %select_n3A_302, %slice3A_320 : vector<8x1xf32>
      %reduce_max3A_322 = vector.shape_cast %mul3A_321 : vector<8x1xf32> to vector<1x8x1xf32>
      %reduce_max3A_323 = arith.constant dense<0xFF800000> : vector<1xf32>
      %reduce_max3A_324 = vector.multi_reduction <maximumf>, %reduce_max3A_322, %reduce_max3A_323 [1, 2] : vector<1x8x1xf32> to vector<1xf32>
      %reduce_max3A_325 = vector.shape_cast %reduce_max3A_324 : vector<1xf32> to vector<1x1x1xf32>
      %reduce_max3A_326 = vector.extract %reduce_max3A_325[0, 0, 0] : f32 from vector<1x1x1xf32>
      %slice3A_327 = vector.extract_strided_slice %broadcast_in_dim3A_94 {offsets = [4, 0], sizes = [1, 1], strides = [1, 1]} : vector<8x1xf32> to vector<1x1xf32>
      %squeeze3A_328 = vector.extract %slice3A_327[0, 0] : f32 from vector<1x1xf32>
      %le3A_329 = arith.constant 0.000000e+00 : f32
      %le3A_330 = arith.cmpf ole, %squeeze3A_328, %le3A_329 : f32
      %le3A_331 = arith.constant 0.000000e+00 : f32
      %le3A_332 = arith.cmpf ole, %reduce_max3A_326, %le3A_331 : f32
      %and3A_333 = arith.andi %le3A_330, %le3A_332 : i1
      %add3A_334 = arith.constant 4 : i32
      %add3A_335 = arith.addi %mul3A_43, %add3A_334 : i32
      %get3A_336 = arith.constant 0 : index
      %get3A_337 = arith.constant 0 : index
      %get3A_338 = arith.index_cast %add3A_335 : i32 to index
      %get3A_339 = memref.load %arg3[%get3A_336, %get3A_337, %get3A_338] : memref<1x1x1024xf32, #tpu.memory_space<smem>>
      %gt3A_340 = arith.constant 1.000000e-01 : f32
      %gt3A_341 = arith.cmpf ogt, %get3A_339, %gt3A_340 : f32
      %and3A_342 = arith.andi %and3A_333, %gt3A_341 : i1
      %eq3A_343 = arith.constant 4 : i32
      %eq3A_344 = vector.broadcast %eq3A_343 : i32 to vector<8x1xi32>
      %eq3A_345 = arith.cmpi eq, %iota3A_29, %eq3A_344 : vector<8x1xi32>
      %and3A_346 = vector.broadcast %and3A_342 : i1 to vector<8x1xi1>
      %and3A_347 = arith.andi %eq3A_345, %and3A_346 : vector<8x1xi1>
      %jit3A_348 = arith.constant 1.000000e+00 : f32
      %broadcast_in_dim3A_349 = vector.broadcast %jit3A_348 : f32 to vector<8x1xf32>
      %select_n3A_350 = arith.select %and3A_347, %broadcast_in_dim3A_349, %select_n3A_302 : vector<8x1xi1>, vector<8x1xf32>
      %add3A_351 = arith.constant 4 : i32
      %add3A_352 = arith.addi %mul3A_43, %add3A_351 : i32
      %eq3A_353 = vector.broadcast %add3A_352 : i32 to vector<1x1024xi32>
      %eq3A_354 = arith.cmpi eq, %iota3A, %eq3A_353 : vector<1x1024xi32>
      %and3A_355 = vector.broadcast %and3A_342 : i1 to vector<1x1024xi1>
      %and3A_356 = arith.andi %eq3A_354, %and3A_355 : vector<1x1024xi1>
      %jit3A_357 = arith.constant 1.000000e+00 : f32
      %broadcast_in_dim3A_358 = vector.broadcast %jit3A_357 : f32 to vector<1x1024xf32>
      %select_n3A_359 = arith.select %and3A_356, %broadcast_in_dim3A_358, %select_n3A_311 : vector<1x1024xi1>, vector<1x1024xf32>
      %lt3A_360 = arith.constant 256 : i32
      %lt3A_361 = arith.cmpi slt, %add3A_319, %lt3A_360 : i32
      %and3A_362 = arith.andi %and3A_342, %lt3A_361 : i1
      %convert_element_type3A_363 = arith.extui %and3A_362 : i1 to i32
      %cond3A_364 = arith.constant 0 : i32
      %cond3A_365 = arith.cmpi ne, %convert_element_type3A_363, %cond3A_364 : i32
      scf.if %cond3A_365 {
        %add3A_514 = arith.constant 4 : i32
        %add3A_515 = arith.addi %mul3A_43, %add3A_514 : i32
        %get3A_516 = arith.constant 0 : index
        %get3A_517 = arith.index_cast %add3A_515 : i32 to index
        %get3A_518 = arith.constant 0 : index
        %get3A_519 = vector.load %arg2[%get3A_516, %get3A_517, %get3A_518] : memref<1x1024x8xf32, #tpu.memory_space<vmem>>, vector<1x1x8xf32>
        %get3A_520 = vector.shape_cast %get3A_519 : vector<1x1x8xf32> to vector<1x8xf32>
        %swap3A_521 = arith.constant 0 : index
        %swap3A_522 = arith.index_cast %add3A_319 : i32 to index
        %swap3A_523 = arith.constant 0 : index
        %swap3A_524 = vector.load %arg4[%swap3A_521, %swap3A_522, %swap3A_523] : memref<1x256x8xf32, #tpu.memory_space<vmem>>, vector<1x1x8xf32>
        %swap3A_525 = vector.shape_cast %swap3A_524 : vector<1x1x8xf32> to vector<1x8xf32>
        %swap3A_526 = vector.shape_cast %get3A_520 : vector<1x8xf32> to vector<1x1x8xf32>
        tpu.vector_store %arg4[%swap3A_521, %swap3A_522, %swap3A_523], %swap3A_526 {strides = array<i32>} : memref<1x256x8xf32, #tpu.memory_space<vmem>>, vector<1x1x8xf32>,
      } else {
      }
      %convert_element_type3A_366 = arith.extui %and3A_342 : i1 to i32
      %add3A_367 = arith.addi %add3A_319, %convert_element_type3A_366 : i32
      %slice3A_368 = vector.extract_strided_slice %convert_element_type3A_133 {offsets = [0, 5], sizes = [8, 1], strides = [1, 1]} : vector<8x8xf32> to vector<8x1xf32>
      %mul3A_369 = arith.mulf %select_n3A_350, %slice3A_368 : vector<8x1xf32>
      %reduce_max3A_370 = vector.shape_cast %mul3A_369 : vector<8x1xf32> to vector<1x8x1xf32>
      %reduce_max3A_371 = arith.constant dense<0xFF800000> : vector<1xf32>
      %reduce_max3A_372 = vector.multi_reduction <maximumf>, %reduce_max3A_370, %reduce_max3A_371 [1, 2] : vector<1x8x1xf32> to vector<1xf32>
      %reduce_max3A_373 = vector.shape_cast %reduce_max3A_372 : vector<1xf32> to vector<1x1x1xf32>
      %reduce_max3A_374 = vector.extract %reduce_max3A_373[0, 0, 0] : f32 from vector<1x1x1xf32>
      %slice3A_375 = vector.extract_strided_slice %broadcast_in_dim3A_94 {offsets = [5, 0], sizes = [1, 1], strides = [1, 1]} : vector<8x1xf32> to vector<1x1xf32>
      %squeeze3A_376 = vector.extract %slice3A_375[0, 0] : f32 from vector<1x1xf32>
      %le3A_377 = arith.constant 0.000000e+00 : f32
      %le3A_378 = arith.cmpf ole, %squeeze3A_376, %le3A_377 : f32
      %le3A_379 = arith.constant 0.000000e+00 : f32
      %le3A_380 = arith.cmpf ole, %reduce_max3A_374, %le3A_379 : f32
      %and3A_381 = arith.andi %le3A_378, %le3A_380 : i1
      %add3A_382 = arith.constant 5 : i32
      %add3A_383 = arith.addi %mul3A_43, %add3A_382 : i32
      %get3A_384 = arith.constant 0 : index
      %get3A_385 = arith.constant 0 : index
      %get3A_386 = arith.index_cast %add3A_383 : i32 to index
      %get3A_387 = memref.load %arg3[%get3A_384, %get3A_385, %get3A_386] : memref<1x1x1024xf32, #tpu.memory_space<smem>>
      %gt3A_388 = arith.constant 1.000000e-01 : f32
      %gt3A_389 = arith.cmpf ogt, %get3A_387, %gt3A_388 : f32
      %and3A_390 = arith.andi %and3A_381, %gt3A_389 : i1
      %eq3A_391 = arith.constant 5 : i32
      %eq3A_392 = vector.broadcast %eq3A_391 : i32 to vector<8x1xi32>
      %eq3A_393 = arith.cmpi eq, %iota3A_29, %eq3A_392 : vector<8x1xi32>
      %and3A_394 = vector.broadcast %and3A_390 : i1 to vector<8x1xi1>
      %and3A_395 = arith.andi %eq3A_393, %and3A_394 : vector<8x1xi1>
      %jit3A_396 = arith.constant 1.000000e+00 : f32
      %broadcast_in_dim3A_397 = vector.broadcast %jit3A_396 : f32 to vector<8x1xf32>
      %select_n3A_398 = arith.select %and3A_395, %broadcast_in_dim3A_397, %select_n3A_350 : vector<8x1xi1>, vector<8x1xf32>
      %add3A_399 = arith.constant 5 : i32
      %add3A_400 = arith.addi %mul3A_43, %add3A_399 : i32
      %eq3A_401 = vector.broadcast %add3A_400 : i32 to vector<1x1024xi32>
      %eq3A_402 = arith.cmpi eq, %iota3A, %eq3A_401 : vector<1x1024xi32>
      %and3A_403 = vector.broadcast %and3A_390 : i1 to vector<1x1024xi1>
      %and3A_404 = arith.andi %eq3A_402, %and3A_403 : vector<1x1024xi1>
      %jit3A_405 = arith.constant 1.000000e+00 : f32
      %broadcast_in_dim3A_406 = vector.broadcast %jit3A_405 : f32 to vector<1x1024xf32>
      %select_n3A_407 = arith.select %and3A_404, %broadcast_in_dim3A_406, %select_n3A_359 : vector<1x1024xi1>, vector<1x1024xf32>
      %lt3A_408 = arith.constant 256 : i32
      %lt3A_409 = arith.cmpi slt, %add3A_367, %lt3A_408 : i32
      %and3A_410 = arith.andi %and3A_390, %lt3A_409 : i1
      %convert_element_type3A_411 = arith.extui %and3A_410 : i1 to i32
      %cond3A_412 = arith.constant 0 : i32
      %cond3A_413 = arith.cmpi ne, %convert_element_type3A_411, %cond3A_412 : i32
      scf.if %cond3A_413 {
        %add3A_514 = arith.constant 5 : i32
        %add3A_515 = arith.addi %mul3A_43, %add3A_514 : i32
        %get3A_516 = arith.constant 0 : index
        %get3A_517 = arith.index_cast %add3A_515 : i32 to index
        %get3A_518 = arith.constant 0 : index
        %get3A_519 = vector.load %arg2[%get3A_516, %get3A_517, %get3A_518] : memref<1x1024x8xf32, #tpu.memory_space<vmem>>, vector<1x1x8xf32>
        %get3A_520 = vector.shape_cast %get3A_519 : vector<1x1x8xf32> to vector<1x8xf32>
        %swap3A_521 = arith.constant 0 : index
        %swap3A_522 = arith.index_cast %add3A_367 : i32 to index
        %swap3A_523 = arith.constant 0 : index
        %swap3A_524 = vector.load %arg4[%swap3A_521, %swap3A_522, %swap3A_523] : memref<1x256x8xf32, #tpu.memory_space<vmem>>, vector<1x1x8xf32>
        %swap3A_525 = vector.shape_cast %swap3A_524 : vector<1x1x8xf32> to vector<1x8xf32>
        %swap3A_526 = vector.shape_cast %get3A_520 : vector<1x8xf32> to vector<1x1x8xf32>
        tpu.vector_store %arg4[%swap3A_521, %swap3A_522, %swap3A_523], %swap3A_526 {strides = array<i32>} : memref<1x256x8xf32, #tpu.memory_space<vmem>>, vector<1x1x8xf32>,
      } else {
      }
      %convert_element_type3A_414 = arith.extui %and3A_390 : i1 to i32
      %add3A_415 = arith.addi %add3A_367, %convert_element_type3A_414 : i32
      %slice3A_416 = vector.extract_strided_slice %convert_element_type3A_133 {offsets = [0, 6], sizes = [8, 1], strides = [1, 1]} : vector<8x8xf32> to vector<8x1xf32>
      %mul3A_417 = arith.mulf %select_n3A_398, %slice3A_416 : vector<8x1xf32>
      %reduce_max3A_418 = vector.shape_cast %mul3A_417 : vector<8x1xf32> to vector<1x8x1xf32>
      %reduce_max3A_419 = arith.constant dense<0xFF800000> : vector<1xf32>
      %reduce_max3A_420 = vector.multi_reduction <maximumf>, %reduce_max3A_418, %reduce_max3A_419 [1, 2] : vector<1x8x1xf32> to vector<1xf32>
      %reduce_max3A_421 = vector.shape_cast %reduce_max3A_420 : vector<1xf32> to vector<1x1x1xf32>
      %reduce_max3A_422 = vector.extract %reduce_max3A_421[0, 0, 0] : f32 from vector<1x1x1xf32>
      %slice3A_423 = vector.extract_strided_slice %broadcast_in_dim3A_94 {offsets = [6, 0], sizes = [1, 1], strides = [1, 1]} : vector<8x1xf32> to vector<1x1xf32>
      %squeeze3A_424 = vector.extract %slice3A_423[0, 0] : f32 from vector<1x1xf32>
      %le3A_425 = arith.constant 0.000000e+00 : f32
      %le3A_426 = arith.cmpf ole, %squeeze3A_424, %le3A_425 : f32
      %le3A_427 = arith.constant 0.000000e+00 : f32
      %le3A_428 = arith.cmpf ole, %reduce_max3A_422, %le3A_427 : f32
      %and3A_429 = arith.andi %le3A_426, %le3A_428 : i1
      %add3A_430 = arith.constant 6 : i32
      %add3A_431 = arith.addi %mul3A_43, %add3A_430 : i32
      %get3A_432 = arith.constant 0 : index
      %get3A_433 = arith.constant 0 : index
      %get3A_434 = arith.index_cast %add3A_431 : i32 to index
      %get3A_435 = memref.load %arg3[%get3A_432, %get3A_433, %get3A_434] : memref<1x1x1024xf32, #tpu.memory_space<smem>>
      %gt3A_436 = arith.constant 1.000000e-01 : f32
      %gt3A_437 = arith.cmpf ogt, %get3A_435, %gt3A_436 : f32
      %and3A_438 = arith.andi %and3A_429, %gt3A_437 : i1
      %eq3A_439 = arith.constant 6 : i32
      %eq3A_440 = vector.broadcast %eq3A_439 : i32 to vector<8x1xi32>
      %eq3A_441 = arith.cmpi eq, %iota3A_29, %eq3A_440 : vector<8x1xi32>
      %and3A_442 = vector.broadcast %and3A_438 : i1 to vector<8x1xi1>
      %and3A_443 = arith.andi %eq3A_441, %and3A_442 : vector<8x1xi1>
      %jit3A_444 = arith.constant 1.000000e+00 : f32
      %broadcast_in_dim3A_445 = vector.broadcast %jit3A_444 : f32 to vector<8x1xf32>
      %select_n3A_446 = arith.select %and3A_443, %broadcast_in_dim3A_445, %select_n3A_398 : vector<8x1xi1>, vector<8x1xf32>
      %add3A_447 = arith.constant 6 : i32
      %add3A_448 = arith.addi %mul3A_43, %add3A_447 : i32
      %eq3A_449 = vector.broadcast %add3A_448 : i32 to vector<1x1024xi32>
      %eq3A_450 = arith.cmpi eq, %iota3A, %eq3A_449 : vector<1x1024xi32>
      %and3A_451 = vector.broadcast %and3A_438 : i1 to vector<1x1024xi1>
      %and3A_452 = arith.andi %eq3A_450, %and3A_451 : vector<1x1024xi1>
      %jit3A_453 = arith.constant 1.000000e+00 : f32
      %broadcast_in_dim3A_454 = vector.broadcast %jit3A_453 : f32 to vector<1x1024xf32>
      %select_n3A_455 = arith.select %and3A_452, %broadcast_in_dim3A_454, %select_n3A_407 : vector<1x1024xi1>, vector<1x1024xf32>
      %lt3A_456 = arith.constant 256 : i32
      %lt3A_457 = arith.cmpi slt, %add3A_415, %lt3A_456 : i32
      %and3A_458 = arith.andi %and3A_438, %lt3A_457 : i1
      %convert_element_type3A_459 = arith.extui %and3A_458 : i1 to i32
      %cond3A_460 = arith.constant 0 : i32
      %cond3A_461 = arith.cmpi ne, %convert_element_type3A_459, %cond3A_460 : i32
      scf.if %cond3A_461 {
        %add3A_514 = arith.constant 6 : i32
        %add3A_515 = arith.addi %mul3A_43, %add3A_514 : i32
        %get3A_516 = arith.constant 0 : index
        %get3A_517 = arith.index_cast %add3A_515 : i32 to index
        %get3A_518 = arith.constant 0 : index
        %get3A_519 = vector.load %arg2[%get3A_516, %get3A_517, %get3A_518] : memref<1x1024x8xf32, #tpu.memory_space<vmem>>, vector<1x1x8xf32>
        %get3A_520 = vector.shape_cast %get3A_519 : vector<1x1x8xf32> to vector<1x8xf32>
        %swap3A_521 = arith.constant 0 : index
        %swap3A_522 = arith.index_cast %add3A_415 : i32 to index
        %swap3A_523 = arith.constant 0 : index
        %swap3A_524 = vector.load %arg4[%swap3A_521, %swap3A_522, %swap3A_523] : memref<1x256x8xf32, #tpu.memory_space<vmem>>, vector<1x1x8xf32>
        %swap3A_525 = vector.shape_cast %swap3A_524 : vector<1x1x8xf32> to vector<1x8xf32>
        %swap3A_526 = vector.shape_cast %get3A_520 : vector<1x8xf32> to vector<1x1x8xf32>
        tpu.vector_store %arg4[%swap3A_521, %swap3A_522, %swap3A_523], %swap3A_526 {strides = array<i32>} : memref<1x256x8xf32, #tpu.memory_space<vmem>>, vector<1x1x8xf32>,
      } else {
      }
      %convert_element_type3A_462 = arith.extui %and3A_438 : i1 to i32
      %add3A_463 = arith.addi %add3A_415, %convert_element_type3A_462 : i32
      %slice3A_464 = vector.extract_strided_slice %convert_element_type3A_133 {offsets = [0, 7], sizes = [8, 1], strides = [1, 1]} : vector<8x8xf32> to vector<8x1xf32>
      %mul3A_465 = arith.mulf %select_n3A_446, %slice3A_464 : vector<8x1xf32>
      %reduce_max3A_466 = vector.shape_cast %mul3A_465 : vector<8x1xf32> to vector<1x8x1xf32>
      %reduce_max3A_467 = arith.constant dense<0xFF800000> : vector<1xf32>
      %reduce_max3A_468 = vector.multi_reduction <maximumf>, %reduce_max3A_466, %reduce_max3A_467 [1, 2] : vector<1x8x1xf32> to vector<1xf32>
      %reduce_max3A_469 = vector.shape_cast %reduce_max3A_468 : vector<1xf32> to vector<1x1x1xf32>
      %reduce_max3A_470 = vector.extract %reduce_max3A_469[0, 0, 0] : f32 from vector<1x1x1xf32>
      %slice3A_471 = vector.extract_strided_slice %broadcast_in_dim3A_94 {offsets = [7, 0], sizes = [1, 1], strides = [1, 1]} : vector<8x1xf32> to vector<1x1xf32>
      %squeeze3A_472 = vector.extract %slice3A_471[0, 0] : f32 from vector<1x1xf32>
      %le3A_473 = arith.constant 0.000000e+00 : f32
      %le3A_474 = arith.cmpf ole, %squeeze3A_472, %le3A_473 : f32
      %le3A_475 = arith.constant 0.000000e+00 : f32
      %le3A_476 = arith.cmpf ole, %reduce_max3A_470, %le3A_475 : f32
      %and3A_477 = arith.andi %le3A_474, %le3A_476 : i1
      %add3A_478 = arith.constant 7 : i32
      %add3A_479 = arith.addi %mul3A_43, %add3A_478 : i32
      %get3A_480 = arith.constant 0 : index
      %get3A_481 = arith.constant 0 : index
      %get3A_482 = arith.index_cast %add3A_479 : i32 to index
      %get3A_483 = memref.load %arg3[%get3A_480, %get3A_481, %get3A_482] : memref<1x1x1024xf32, #tpu.memory_space<smem>>
      %gt3A_484 = arith.constant 1.000000e-01 : f32
      %gt3A_485 = arith.cmpf ogt, %get3A_483, %gt3A_484 : f32
      %and3A_486 = arith.andi %and3A_477, %gt3A_485 : i1
      %eq3A_487 = arith.constant 7 : i32
      %eq3A_488 = vector.broadcast %eq3A_487 : i32 to vector<8x1xi32>
      %eq3A_489 = arith.cmpi eq, %iota3A_29, %eq3A_488 : vector<8x1xi32>
      %and3A_490 = vector.broadcast %and3A_486 : i1 to vector<8x1xi1>
      %and3A_491 = arith.andi %eq3A_489, %and3A_490 : vector<8x1xi1>
      %jit3A_492 = arith.constant 1.000000e+00 : f32
      %broadcast_in_dim3A_493 = vector.broadcast %jit3A_492 : f32 to vector<8x1xf32>
      %select_n3A_494 = arith.select %and3A_491, %broadcast_in_dim3A_493, %select_n3A_446 : vector<8x1xi1>, vector<8x1xf32>
      %add3A_495 = arith.constant 7 : i32
      %add3A_496 = arith.addi %mul3A_43, %add3A_495 : i32
      %eq3A_497 = vector.broadcast %add3A_496 : i32 to vector<1x1024xi32>
      %eq3A_498 = arith.cmpi eq, %iota3A, %eq3A_497 : vector<1x1024xi32>
      %and3A_499 = vector.broadcast %and3A_486 : i1 to vector<1x1024xi1>
      %and3A_500 = arith.andi %eq3A_498, %and3A_499 : vector<1x1024xi1>
      %jit3A_501 = arith.constant 1.000000e+00 : f32
      %broadcast_in_dim3A_502 = vector.broadcast %jit3A_501 : f32 to vector<1x1024xf32>
      %select_n3A_503 = arith.select %and3A_500, %broadcast_in_dim3A_502, %select_n3A_455 : vector<1x1024xi1>, vector<1x1024xf32>
      %lt3A_504 = arith.constant 256 : i32
      %lt3A_505 = arith.cmpi slt, %add3A_463, %lt3A_504 : i32
      %and3A_506 = arith.andi %and3A_486, %lt3A_505 : i1
      %convert_element_type3A_507 = arith.extui %and3A_506 : i1 to i32
      %cond3A_508 = arith.constant 0 : i32
      %cond3A_509 = arith.cmpi ne, %convert_element_type3A_507, %cond3A_508 : i32
      scf.if %cond3A_509 {
        %add3A_514 = arith.constant 7 : i32
        %add3A_515 = arith.addi %mul3A_43, %add3A_514 : i32
        %get3A_516 = arith.constant 0 : index
        %get3A_517 = arith.index_cast %add3A_515 : i32 to index
        %get3A_518 = arith.constant 0 : index
        %get3A_519 = vector.load %arg2[%get3A_516, %get3A_517, %get3A_518] : memref<1x1024x8xf32, #tpu.memory_space<vmem>>, vector<1x1x8xf32>
        %get3A_520 = vector.shape_cast %get3A_519 : vector<1x1x8xf32> to vector<1x8xf32>
        %swap3A_521 = arith.constant 0 : index
        %swap3A_522 = arith.index_cast %add3A_463 : i32 to index
        %swap3A_523 = arith.constant 0 : index
        %swap3A_524 = vector.load %arg4[%swap3A_521, %swap3A_522, %swap3A_523] : memref<1x256x8xf32, #tpu.memory_space<vmem>>, vector<1x1x8xf32>
        %swap3A_525 = vector.shape_cast %swap3A_524 : vector<1x1x8xf32> to vector<1x8xf32>
        %swap3A_526 = vector.shape_cast %get3A_520 : vector<1x8xf32> to vector<1x1x8xf32>
        tpu.vector_store %arg4[%swap3A_521, %swap3A_522, %swap3A_523], %swap3A_526 {strides = array<i32>} : memref<1x256x8xf32, #tpu.memory_space<vmem>>, vector<1x1x8xf32>,
      } else {
      }
      %convert_element_type3A_510 = arith.extui %and3A_486 : i1 to i32
      %add3A_511 = arith.addi %add3A_463, %convert_element_type3A_510 : i32
      %add3A_512 = arith.constant 1 : i32
      %add3A_513 = arith.addi %while3A_39, %add3A_512 : i32
      scf.yield %add3A_513, %select_n3A_503, %add3A_511 : i32, vector<1x1024xf32>, i32
    }
    %min3A = arith.constant 256 : i32
    %min3A_34 = arith.minsi %while3A_33#2, %min3A : i32
    %swap3A_35 = arith.constant 0 : index
    %swap3A_36 = arith.constant 0 : index
    %swap3A_37 = arith.constant 0 : index
    %swap3A_38 = memref.load %arg5[%swap3A_35, %swap3A_36, %swap3A_37] : memref<1x1x1xi32, #tpu.memory_space<smem>>
    memref.store %min3A_34, %arg5[%swap3A_35, %swap3A_36, %swap3A_37] : memref<1x1x1xi32, #tpu.memory_space<smem>>
    return
  }
  func.func @transform_0(%arg0: i32) -> (i32, i32, i32) {
    %c0_i32 = arith.constant 0 : i32
    %c0_i32_0 = arith.constant 0 : i32
    %c0_i32_1 = arith.constant 0 : i32
    return %arg0, %c0_i32, %c0_i32_0 : i32, i32, i32
  }
  func.func @transform_1(%arg0: i32) -> (i32, i32, i32) {
    %c0_i32 = arith.constant 0 : i32
    %c0_i32_0 = arith.constant 0 : i32
    %c0_i32_1 = arith.constant 0 : i32
    return %arg0, %c0_i32, %c0_i32_0 : i32, i32, i32
  }
  func.func @transform_2(%arg0: i32) -> (i32, i32, i32) {
    %c0_i32 = arith.constant 0 : i32
    %c0_i32_0 = arith.constant 0 : i32
    %c0_i32_1 = arith.constant 0 : i32
    return %arg0, %c0_i32, %c0_i32_0 : i32, i32, i32
  }
  func.func @transform_3(%arg0: i32) -> (i32, i32, i32) {
    %c0_i32 = arith.constant 0 : i32
    %c0_i32_0 = arith.constant 0 : i32
    %c0_i32_1 = arith.constant 0 : i32
    return %arg0, %c0_i32, %c0_i32_0 : i32, i32, i32
  }
  func.func @transform_4(%arg0: i32) -> (i32, i32, i32) {
    %c0_i32 = arith.constant 0 : i32
    %c0_i32_0 = arith.constant 0 : i32
    %c0_i32_1 = arith.constant 0 : i32
    return %arg0, %c0_i32, %c0_i32_0 : i32, i32, i32
  }
}

</mosaic_0001>

<sc_bundles>
// kernel: gather_offload_async_start.1
scs
__scs_entry_jumppad:
0x0: {  	(pc) =	sbr.rel $0x88, $3  }
0x1: {  	(tag) =	ssettag $0x0;
	lr =	simm.s32 $0x1  }
0x2: {  	[smem:$0x3F9F] =	sst lr;
	_ =	strace $0xD0000000  }
0x3: {  	_ = 	snop  }
0x4: {  	_ = 	snop  }
0x5: {  	_ = 	snop  }
0x6: {  	_ = 	snop  }
0x7: {  	_ = 	snop  }
__scs_overlays_trampoline_lowered:
0x8: {  	[smem:$0x3FAE] =	sst s0  }
0x9: {  	[smem:$0x3FAF] =	sst s1  }
0xa: {  	[smem:$0x3FB0] =	sst s2  }
0xb: {  	[smem:$0x3FB1] =	sst s3  }
0xc: {  	[smem:$0x3FB2] =	sst s4  }
0xd: {  	[smem:$0x3FB3] =	sst s5  }
0xe: {  	[smem:$0x3FB4] =	sst s6  }
0xf: {  	[smem:$0x3FB5] =	sst s7  }
0x10: {  	[smem:$0x3FB6] =	sst s8  }
0x11: {  	[smem:$0x3FB7] =	sst s9;
	s0 =	simm.s32 @!p0 $0x0  }
0x12: {  	s1 =	sld [smem:$0x3F9D];
	s0 =	simm.s32 @p0 $0x1  }
0x13: {  	[smem:$0x3FB8] =	sst s0;
	s0 =	simm.s32 @!p1 $0x0  }
0x14: {  	s2 =	sld [smem:$0x3F9C];
	s0 =	simm.s32 @p1 $0x1  }
0x15: {  	[smem:$0x3FB9] =	sst s0;
	s0 =	simm.s32 @!p2 $0x0  }
0x16: {  	s3 =	sld [smem:$0x3FDB];
	s0 =	simm.s32 @p2 $0x1  }
0x17: {  	s4 =	simm.s32 $0x1BF5;
	[smem:$0x3FBB] =	sst s0  }
0x18: {  	s0 =	sld [smem:$0x3F9E];
	_ =	swait.ge [sflag:s4], $0x0  }
0x19: {  	s7 =	sld [smem:$0x3F9F]  }
0x1a: {  	s8 =	sadd.s32 $0xFFFFE003, lr  }
0x1b: {  	s9 =	sadd.s32 $0xFFFFFEF7, lr;
	s5 =	simm.s32 $0xFFFFFFFF;
	p2 =	slt.u32 s8, $0xFFFFF086  }
0x1c: {  	p1 =	slt.u32 s9, $0xF7A;
	s5 =	simm.s32 @!p2 $0x0  }
0x1d: {  	s5 =	simm.s32 @p1 $0x1;
	p0 =	seq.s32 s7, s2  }
0x1e: {  	s7 =	smul.u32 @!p0 $0xF7A, s2;
	p2 =	seq.s32 @!p0 s5, $0x0  }
0x1f: {  	s9 =	smul.u32 $0xF7A, s1;
	s8 =	simm.s32 @!p0 $0x1BF5;
	p2 =	por !p2, p0  }
0x20: {  	[sflag:s8] =	ssyncset.s32 @!p0 $0xFFFFF086;
	s6 =	sadd.s32 @!p0 s3, s7;
	s7 =	simm.s32 @!p0 $0x108  }
0x21: {  	s3 =	sadd.s32 s3, s9;
	s6 =	sadd.s32 @!p0 $0x88, s6;
	s7 =	simm.s32 @p2 $0x1082  }
0x22: {  	[simem:s7], [sflag:s8] =	dma.local @!p0 [hbm:s6], $0xF7A  }
0x23: {  	s9 =	sor.u32 $0xD0000000, s2;
	s6 =	simm.s32 $0x108;
	_ =	swait.ge @!p0 [sflag:s8], $0x0  }
0x24: {  	s3 =	sadd.s32 $0x88, s3;
	s6 =	simm.s32 @!p1 $0x1082;
	[sflag:s4] =	ssyncset.s32 $0xFFFFF086  }
0x25: {  	[simem:s6], [sflag:s4] =	dma.local [hbm:s3], $0xF7A  }
0x26: {  	[smem:$0x3F9F] =	sst s1;
	(tag) =	ssettag s2;
	_ =	strace s9  }
0x27: {  	s1 =	sld [smem:$0x3FAF]  }
0x28: {  	s2 =	sld [smem:$0x3FB0]  }
0x29: {  	s4 =	sld [smem:$0x3FB2]  }
0x2a: {  	p0 =	seq.s32 s5, $0x0;
	s5 =	sld [smem:$0x3FB3]  }
0x2b: {  	s6 =	sld [smem:$0x3FB4]  }
0x2c: {  	s7 =	sld [smem:$0x3FB5]  }
0x2d: {  	s3 =	simm.s32 $0x108;
	s8 =	sld [smem:$0x3FB6]  }
0x2e: {  	s3 =	simm.s32 @!p0 $0x1082;
	s9 =	sld [smem:$0x3FB7]  }
0x2f: {  	lr =	sadd.s32 s0, s3;
	s0 =	sld [smem:$0x3FAE]  }
0x30: {  	s3 =	sld [smem:$0x3FB1]  }
0x31: {  	[smem:$0x3FBA] =	sst s10  }
0x32: {  	s10 =	sld [smem:$0x3FB8];
	_ =	sdelay $0x3  }
0x33: {  	p0 =	seq.s32 s10, $0x1;
	s10 =	sld [smem:$0x3FBA];
	_ =	sdelay $0x3  }
0x34: {  	[smem:$0x3FBA] =	sst s10  }
0x35: {  	s10 =	sld [smem:$0x3FB9];
	_ =	sdelay $0x3  }
0x36: {  	p1 =	seq.s32 s10, $0x1;
	s10 =	sld [smem:$0x3FBA];
	_ =	sdelay $0x3  }
0x37: {  	[smem:$0x3FBA] =	sst s10  }
0x38: {  	s10 =	sld [smem:$0x3FBB]  }
0x39: {  	_ = 	snop;
	(pc) =	sbr.ind lr, $3  }
0x3a: {  	_ = 	snop  }
0x3b: {  	_ = 	snop  }
0x3c: {  	p2 =	seq.s32 s10, $0x1;
	s10 =	sld [smem:$0x3FBA]  }
0x3d: {  	_ =	shalt  }
0x3e: {  	_ =	shalt  }
0x3f: {  	_ =	shalt  }
0x40: {  	_ =	shalt  }
0x41: {  	_ =	shalt  }
0x42: {  	_ =	shalt  }
0x43: {  	_ =	shalt  }
0x44: {  	_ =	shalt  }
0x45: {  	_ =	shalt  }
0x46: {  	_ =	shalt  }
0x47: {  	_ =	shalt  }
0x48: {  	_ =	shalt  }
0x49: {  	_ =	shalt  }
0x4a: {  	_ =	shalt  }
0x4b: {  	_ =	shalt  }
0x4c: {  	_ =	shalt  }
0x4d: {  	_ =	shalt  }
0x4e: {  	_ =	shalt  }
0x4f: {  	_ =	shalt  }
0x50: {  	_ =	shalt  }
0x51: {  	_ =	shalt  }
0x52: {  	_ =	shalt  }
0x53: {  	_ =	shalt  }
0x54: {  	_ =	shalt  }
0x55: {  	_ =	shalt  }
0x56: {  	_ =	shalt  }
0x57: {  	_ =	shalt  }
0x58: {  	_ =	shalt  }
0x59: {  	_ =	shalt  }
0x5a: {  	_ =	shalt  }
0x5b: {  	_ =	shalt  }
0x5c: {  	_ =	shalt  }
0x5d: {  	_ =	shalt  }
0x5e: {  	_ =	shalt  }
0x5f: {  	_ =	shalt  }
0x60: {  	_ =	shalt  }
0x61: {  	_ =	shalt  }
0x62: {  	_ =	shalt  }
0x63: {  	_ =	shalt  }
0x64: {  	_ =	shalt  }
0x65: {  	_ =	shalt  }
0x66: {  	_ =	shalt  }
0x67: {  	_ =	shalt  }
0x68: {  	_ =	shalt  }
0x69: {  	_ =	shalt  }
0x6a: {  	_ =	shalt  }
0x6b: {  	_ =	shalt  }
0x6c: {  	_ =	shalt  }
0x6d: {  	_ =	shalt  }
0x6e: {  	_ =	shalt  }
0x6f: {  	_ =	shalt  }
0x70: {  	_ =	shalt  }
0x71: {  	_ =	shalt  }
0x72: {  	_ =	shalt  }
0x73: {  	_ =	shalt  }
0x74: {  	_ =	shalt  }
0x75: {  	_ =	shalt  }
0x76: {  	_ =	shalt  }
0x77: {  	_ =	shalt  }
0x78: {  	_ =	shalt  }
0x79: {  	_ =	shalt  }
0x7a: {  	_ =	shalt  }
0x7b: {  	_ =	shalt  }
0x7c: {  	_ =	shalt  }
0x7d: {  	_ =	shalt  }
0x7e: {  	_ =	shalt  }
0x7f: {  	_ =	shalt  }
0x80: {  	_ =	shalt  }
0x81: {  	_ =	shalt  }
0x82: {  	_ =	shalt  }
0x83: {  	_ =	shalt  }
0x84: {  	_ =	shalt  }
0x85: {  	_ =	shalt  }
0x86: {  	_ =	shalt  }
0x87: {  	_ =	shalt  }
.Lfunc_end0:
.L_simem_size_0:
called_computation.1_lowered:
.L_overlay_start_0:
0x88: {  	s2 =	sld [smem:$0x3FD9]  }
0x89: {  	s3 =	sld [smem:$0x3FFE];
	_ =	sdelay $0x1  }
0x8a: {  	s1 =	srdreg.scid  }
0x8b: {  	s0 =	sand.u32 $0x1, s1  }
0x8c: {  	s14 =	sshll.u32 s0, $0xA;
	s2 =	sadd.s32 s3, s2  }
0x8d: {  	s2 =	sadd.s32 s2, s14  }
0x8e: {  	[smem:$0x3FC6] =	sst s2  }
0x8f: {  	_ = 	snop  }
0x90: {  	s2 =	sld [smem:$0x3FD0];
	_ =	sdelay $0x2  }
0x91: {  	s15 =	simm.s32 $0xA;
	s4 =	simm.s32 $0x10  }
0x92: {  	[smem:s4], [sflag:s15] =	dma.local [hbm:s2], $0x1  }
0x93: {  	_ =	swait.eq [sflag:s15], $0x1  }
0x94: {  	[sflag:s15] =	ssyncset.done $0x0  }
0x95: {  	[sflag:s15] =	ssyncadd.s32 $0xFFFFFFFF  }
0x96: {  	s16 =	sld [smem:$0x10];
	(tm) =	ssettm $0x1  }
0x97: {  	s17 =	sld [smem:$0x3FFB];
	_ =	sdelay $0x3  }
0x98: {  	_ =	strace s17  }
0x99: {  	s3 =	sld [smem:$0x3FFC];
	_ =	sdelay $0x3  }
0x9a: {  	_ =	strace s3  }
0x9b: {  	s3 =	sld [smem:$0x3FFD];
	_ =	sdelay $0x3  }
0x9c: {  	_ =	strace s3  }
0x9d: {  	_ =	strace $0x8FFFFFFF  }
0x9e: {  	s18 =	sld [smem:$0x3FDB];
	_ =	sdelay $0x1  }
0x9f: {  	s19 =	simm.s32 $_scs_section_size  }
0xa0: {  	s5 =	simm.s32 $_size__tile_overlayer_lowered;
	s6 =	simm.s32 $_tile_overlayer_lowered  }
0xa1: {  	s22 =	simm.s32 $0x1BFF;
	s21 =	sshll.u32 s6, $0x1;
	s3 =	sadd.s32 s19, s18  }
0xa2: {  	s7 =	simm.s32 $0x0;
	s20 =	sshll.u32 s5, $0x1;
	s5 =	sadd.s32 s21, s3  }
0xa3: {  	[timem:s7], [sflag:s22] =	dma.local [hbm:s5], s20  }
0xa4: {  	_ =	swait.ge [sflag:s22], s20  }
0xa5: {  	s4 =	ssub.s32 $0x0, s20;
	[sflag:s22] =	ssyncset.done $0x0  }
0xa6: {  	[sflag:s22] =	ssyncadd.s32 s4;
	_ =	sdelay $0x1  }
0xa7: {  	s23 =	simm.s32 $0x1B8B  }
0xa8: {  	_ =	swait.ge [sflag:s23], $0x1  }
0xa9: {  	[sflag:s23] =	ssyncset.done $0x0  }
0xaa: {  	s25 =	simm.s32 $0x1B8E;
	s24 =	sld [smem:$0x3FFE];
	[sflag:s23] =	ssyncadd.s32 $0xFFFFFFFF  }
0xab: {  	s26 =	simm.s32 $execute0_lowered;
	[smem:$0x3FD2] =	sst s25  }
0xac: {  	s5 =	sshll.u32 s26, $0x1;
	_ =	strace $0x80000046;
	[dreg:$0x1] =	wrdreg $0xFFFFFFFF  }
0xad: {  	s28 =	simm.s32 $_size_execute0_lowered;
	s3 =	sadd.s32 s3, s5;
	[dreg:$0x0] =	wrdreg $0x0  }
0xae: {  	s5 =	sshll.u32 s28, $0x1;
	[dreg:$0x2] =	wrdreg s3  }
0xaf: {  	[dreg:$0x3] =	wrdreg s5  }
0xb0: {  	[dreg:$0x4] =	wrdreg $0xC0  }
0xb1: {  	_ =	task [dreg:s7], $0x5FFFF  }
0xb2: {  	[dreg:$0x1] =	wrdreg $0xFFFFFFFF  }
0xb3: {  	[dreg:$0x0] =	wrdreg $0x60  }
0xb4: {  	[dreg:$0x2] =	wrdreg s24  }
0xb5: {  	[dreg:$0x3] =	wrdreg s16  }
0xb6: {  	[dreg:$0x4] =	wrdreg $0x9  }
0xb7: {  	_ =	task.clear_ibuf [dreg:s7], $0x5FFFF;
	_ =	strace $0x90000046  }
0xb8: {  	s29 =	simm.s32 $0x9;
	_ =	strace $0x80000048  }
0xb9: {  	_ =	swait.ge [sflag:s29], $0x1  }
0xba: {  	[sflag:s29] =	ssyncadd.s32 $0xFFFFFFFF  }
0xbb: {  	_ =	strace $0x90000048  }
0xbc: {  	_ =	sfence  }
0xbd: {  	s30 =	sld [smem:$0x0];
	_ =	sdelay $0x2  }
0xbe: {  	s31 =	sshll.u32 s1, $0xD;
	s1 =	sshrl.u32 s1, $0x2  }
0xbf: {  	s3 =	sand.u32 $0x4000, s31;
	s1 =	sadd.s32 s1, s30  }
0xc0: {  	s0 =	sor.u32 s3, s0;
	s1 =	sshll.u32 s1, $0x11  }
0xc1: {  	s0 =	sor.u32 s1, s0  }
0xc2: {  	s0 =	sadd.s32 $0x8F2B, s0  }
0xc3: {  	[sflag:s0] =	ssyncadd.remote.s32 $0x1  }
0xc4: {  	_ =	sfence.sel $0xFFFF  }
0xc5: {  	[dreg:$0x0] =	wrdreg $0xFFFFFFFF;
	(pc) =	sbr.abs _section_cstart, $3  }
0xc6: {  	[dreg:$0x1] =	wrdreg $0xFFFFFFFF  }
0xc7: {  	_ =	task.clear_ibuf [dreg:s7], $0x2FFFF;
	_ =	strace $0x9FFFFFFF  }
0xc8: {  	(tm) =	ssettm $0x7FFFFFFF  }
0xc9: {  	_ =	shalt  }
tec
execute0_lowered:
.L_overlay_start_1:
0x0: {  	(tag) =	ssettag $0x1  }
0x1: {  	s1 =	srdreg.scid;
	s2 =	rddreg [dreg:$0x0]  }
0x2: {  	s0 =	stileid.u32;
	s3 =	rddreg [dreg:$0x1]  }
0x3: {  	s6 =	simm.s32 $0x1;
	s9 =	simm.s32 $0x1;
	s1 =	sshll.u32 s1, $0x6  }
0x4: {  	s10 =	simm.s32 $0x3;
	s4 =	sshll.u32 s0, $0x7;
	s5 =	sand.u32 $0x40, s1  }
0x5: {  	s13 =	simm.s32 $0x0;
	s12 =	simm.s32 $0x0;
	s4 =	sor.u32 s4, s5  }
0x6: {  	s1 =	rddreg [dreg:$0x2];
	_ =	strace $0x80000047;
	s8 =	ssub.s32 $0x1000, s4  }
.Ltmp0:
0x7: {  	s5 =	sadd.s32 $0x13B000, s2;
	s7 =	sand.u32 $0x7C0, s8;
	(pc) =	sbr.rel .LBB2_1-.Ltmp0, $4  }
0x8: {  	[sflag:s6] =	ssyncpa.u1 $0x0;
	s11 =	smov.u32 s4;
	p0 =	sne.s32 s7, $0x0  }
0x9: {  	s8 =	sshrl.u32 s8, $0xB;
	s7 =	simm.s32 $0x2;
	s9 =	simm.s32 @!p0 $0x0  }
0xa: {  	[sflag:s7] =	ssyncpa.u1 $0x0;
	p0 =	por $0x0, $0x0;
	s8 =	sadd.s32 s9, s8  }
0xb: {  	vm0 =	vmmov $0xffff;
	[sflag:s10] =	ssyncpa.u1 $0x0;
	s10 =	simm.s32 $0x0;
	s9 =	sadd.s32 $0x1, s8  }
.LBB2_4:
0xc: {  	v3 =	vand.u32 $0x3, v0;
	v62 =	vshrl.u32 v0, $0x2  }
0xd: {  	v3 =	vsel vm1, $0xFFFFFFFF, v3;
	v0 =	vand.u32 $0x7FFF, v62  }
0xe: {  	v0 =	vsel vm1, $0xFFFFFFFF, v0;
	v4 =	vshrl.u32 v3, $0x2  }
0xf: {  	v4 =	vmul.u32 $0x13A00, v4;
	v5 =	vshll.u32 v0, $0x2  }
0x10: {  	v3 =	vshll.u32 v3, $0x7;
	v5 =	vand.u32 $0xFFFFFE00, v5  }
0x11: {  	v1 =	vor.u32 v1, v2;
	v3 =	vand.u32 $0x180, v3;
	v63 =	vadd.s32 v4, v5  }
0x12: {  	v0 =	vand.u32 $0x7F, v0;
	v2 =	vor.u32 v3, v63  }
0x13: {  	v0 =	vor.u32 v0, v2;
	_ =	sdelay $0x1  }
0x14: {  	(ifvalue) =	ssetifvalue $0x7FFFFFFF;
	s15 =	sadd.s32 $0x10, s15  }
0x15: {  	[tilespmem:s15], [sflag:$0x1] =	stream.indirect_vreg.gather [hbm4b:s2+s10], $0x1, v1, vm0, $0x4038;
	[tilespmem:$0x100] =	vst v63  }
0x16: {  	(ifvalue) =	ssetifvalue $0x7FFFFFFF;
	s15 =	sadd.s32 $0x10, s15  }
0x17: {  	[tilespmem:s15], [sflag:$0x1] =	stream.indirect_vreg.gather [hbm4b:s2+s10], $0x1, v0, vm0, $0x4038;
	[tilespmem:$0x100] =	vst v63  }
0x18: {  	_ =	swait.ge [sflag:s6], $0x40  }
0x19: {  	s30 =	sshrl.u32 s13, $0x3;
	[sflag:s6] =	ssyncset.done $0x0  }
0x1a: {  	s31 =	sand.u32 $0x7, s13;
	s15 =	sadd.s32 s5, s30;
	[sflag:s6] =	ssyncadd.s32 $0xFFFFFFC0  }
0x1b: {  	[hbm4b:s15+s31] =	stream.linear.scatter [tilespmem:s14], [sflag:$0x3], $0x40, $0x38;
	[tilespmem:$0x100] =	vst v63  }
.LBB2_5:
0x1c: {  	s15 =	sadd.s32 $0x800, s11  }
0x1d: {  	p2 =	sgt.s32 s15, $0xFFF  }
0x1e: {  	s15 =	smov.u32 @p2 s4;
	p2 =	sne.s32 s12, s9  }
.Ltmp1:
0x1f: {  	p1 =	slt.u32 s12, $0x2;
	(pc) =	sbr.rel @!p2 .LBB2_6-.Ltmp1, $4  }
0x20: {  	s14 =	simm.s32 @!p1 $0x3  }
0x21: {  	s16 =	sadd.s32 $0x1, s12;
	_ =	swait.ge @!p1 [sflag:s14], $0x40  }
0x22: {  	s13 =	smov.u32 s11;
	p0 =	por !p0, !p0;
	[sflag:s14] =	ssyncset.done @!p1 $0x0  }
0x23: {  	s12 =	smov.u32 s16;
	s11 =	smov.u32 s15;
	[sflag:s14] =	ssyncadd.s32 @!p1 $0xFFFFFFC0  }
.LBB2_1:
0x24: {  	p1 =	sge.u32 s12, s8  }
0x25: {  	s14 =	sxor.u32 @!p1 $0xFFFFFFFF, s12  }
0x26: {  	s31 =	sadd.s32 $0xFFFFFFFF, s12;
	s15 =	sshrl.u32 @!p1 s11, $0x3;
	s14 =	sshll.u32 @!p1 s14, $0x6  }
0x27: {  	s16 =	sand.u32 @!p1 $0x7, s11;
	s15 =	sadd.s32 @!p1 s3, s15;
	s14 =	sand.u32 @!p1 $0x40, s14  }
0x28: {  	[tilespmem:s14], [sflag:$0x2] =	stream.linear.gather @!p1 [hbm4b:s15+s16], $0x40, $0x38;
	[tilespmem:$0x100] =	vst v63  }
0x29: {  	p1 =	sge.u32 s31, s8  }
.Ltmp2:
0x2a: {  	_ = 	snop;
	(pc) =	sbr.rel @p1 .LBB2_5-.Ltmp2, $1  }
0x2b: {  	_ =	sdelay $0x3  }
0x2c: {  	s14 =	simm.s32 $0x1  }
0x2d: {  	_ =	swait.ge [sflag:s7], $0x40;
	s14 =	simm.s32 @!p0 $0x0  }
0x2e: {  	[sflag:s7] =	ssyncset.done $0x0;
	s14 =	sshll.u32 s14, $0x6  }
0x2f: {  	[sflag:s7] =	ssyncadd.s32 $0xFFFFFFC0;
	(ifvalue) =	ssetifvalue $0x7FFFFFFF;
	v0 =	vld.msk [tilespmem:s14+$0x0 ss:$0x1], $0xffff;
	_ =	sdelay $0x2  }
0x30: {  	s15 =	sadd.s32 $0x10, s14  }
0x31: {  	v3 =	vld.msk [tilespmem:s15+$0x0 ss:$0x1], $0xffff  }
0x32: {  	vm1 =	veq.s32 v0, $0x80000000;
	v1 =	vand.u32 $0x3, v0;
	v0 =	vshrl.u32 v0, $0x2  }
0x33: {  	v1 =	vsel vm1, $0xFFFFFFFF, v1;
	v0 =	vand.u32 $0x7FFF, v0  }
0x34: {  	v0 =	vsel vm1, $0xFFFFFFFF, v0;
	v2 =	vshrl.u32 v1, $0x2  }
0x35: {  	v2 =	vmul.u32 $0x13A00, v2;
	v4 =	vshll.u32 v0, $0x2  }
0x36: {  	v1 =	vshll.u32 v1, $0x7;
	vm1 =	veq.s32 v3, $0x80000000;
	v4 =	vand.u32 $0xFFFFFE00, v4  }
0x37: {  	v1 =	vand.u32 $0x180, v1;
	v0 =	vand.u32 $0x7F, v0;
	v2 =	vadd.s32 v2, v4  }
0x38: {  	s17 =	sadd.s32 $0x10, s15;
	v1 =	vor.u32 v1, v2;
	v2 =	vand.u32 $0x3, v3;
	v3 =	vshrl.u32 v3, $0x2  }
0x39: {  	v1 =	vor.u32 v0, v1;
	v0 =	vld.msk [tilespmem:s17+$0x0 ss:$0x1], $0xffff;
	v2 =	vsel vm1, $0xFFFFFFFF, v2;
	v3 =	vand.u32 $0x7FFF, v3  }
0x3a: {  	v3 =	vsel vm1, $0xFFFFFFFF, v3;
	v63 =	vshrl.u32 v2, $0x2  }
0x3b: {  	s31 =	sshll.u32 s12, $0x6;
	v4 =	vmul.u32 $0x13A00, v63;
	v5 =	vshll.u32 v3, $0x2  }
0x3c: {  	s16 =	simm.s32 $0x20;
	s15 =	sor.u32 $0x80, s14;
	s14 =	sand.u32 $0x40, s31;
	v2 =	vshll.u32 v2, $0x7;
	v5 =	vand.u32 $0xFFFFFE00, v5  }
0x3d: {  	s14 =	sor.u32 $0x80, s14;
	(ifvalue) =	ssetifvalue $0x7FFFFFFF;
	s17 =	sadd.s32 $0x10, s17;
	v2 =	vand.u32 $0x180, v2;
	v4 =	vadd.s32 v4, v5  }
0x3e: {  	[tilespmem:s15], [sflag:$0x1] =	stream.indirect_vreg.gather [hbm4b:s2+s10], $0x1, v1, vm0, $0x4038;
	vm1 =	veq.s32 v0, $0x80000000;
	v1 =	vand.u32 $0x7F, v3;
	v2 =	vor.u32 v2, v4;
	[tilespmem:$0x100] =	vst v63  }
.LBB2_3:
0x3f: {  	v3 =	vand.u32 $0x3, v0;
	v4 =	vshrl.u32 v0, $0x2;
	v0 =	vld.msk [tilespmem:s17+$0x0 ss:$0x1], $0xffff;
	v1 =	vor.u32 v1, v2;
	s16 =	sadd.s32 $0x10, s16  }
0x40: {  	v2 =	vsel vm1, $0xFFFFFFFF, v3;
	v3 =	vand.u32 $0x7FFF, v4;
	p1 =	slt.u32 s16, $0x30  }
.Ltmp3:
0x41: {  	v3 =	vsel vm1, $0xFFFFFFFF, v3;
	v4 =	vshrl.u32 v2, $0x2;
	(pc) =	sbr.rel @p1 .LBB2_3-.Ltmp3, $4  }
0x42: {  	v4 =	vmul.u32 $0x13A00, v4;
	v5 =	vshll.u32 v3, $0x2  }
0x43: {  	s15 =	sadd.s32 $0x10, s15;
	v2 =	vshll.u32 v2, $0x7;
	v5 =	vand.u32 $0xFFFFFE00, v5;
	(ifvalue) =	ssetifvalue $0x7FFFFFFF  }
0x44: {  	v2 =	vand.u32 $0x180, v2;
	v4 =	vadd.s32 v4, v5;
	[tilespmem:s15], [sflag:$0x1] =	stream.indirect_vreg.gather [hbm4b:s2+s10], $0x1, v1, vm0, $0x4038;
	[tilespmem:$0x100] =	vst v63  }
0x45: {  	s17 =	sadd.s32 $0x10, s17;
	vm1 =	veq.s32 v0, $0x80000000;
	v1 =	vand.u32 $0x7F, v3;
	v2 =	vor.u32 v2, v4  }
.Ltmp4:
0x46: {  	_ = 	snop;
	(pc) =	sbr.rel .LBB2_4-.Ltmp4, $1  }
0x47: {  	_ =	sdelay $0x3  }
.LBB2_6:
0x48: {  	_ =	sfence.sel $0x180000  }
0x49: {  	s2 =	simm.s32 $0x2;
	[bflag:$0x0] =	sbarrier.arrive $0xFFFF  }
0x4a: {  	s30 =	simm.s32 $0x3;
	[sflag:s2] =	ssyncpa.u1 $0x1  }
0x4b: {  	s31 =	simm.s32 $0x1;
	[sflag:s30] =	ssyncpa.u1 $0x1  }
0x4c: {  	[sflag:s31] =	ssyncpa.u1 $0x1  }
0x4d: {  	p0 =	sne.s32 s0, $0x0;
	_ =	strace $0x90000047  }
0x4e: {  	s0 =	sadd.s32 @!p0 $0x100000, s1;
	[bflag:$0x2] =	sbarrier.arrive $0xFFFF  }
0x4f: {  	[sflag:s0] =	ssyncadd.tile.s32 @!p0 $0x1;
	_ =	shalt  }
.Lfunc_end2:
_tile_overlayer_lowered:
.L_overlay_start_2:
0x50: {  	(tag) =	ssettag $0x2  }
0x51: {  	s0 =	rddreg [dreg:$0x0];
	s2 =	stileid.u32  }
0x52: {  	s1 =	rddreg [dreg:$0x1];
	p0 =	sne.s32 s2, $0x0  }
0x53: {  	s3 =	rddreg [dreg:$0x2];
	[bflag:$0x3] =	sbarrier.arrive $0xFFFF;
	s2 =	simm.s32 @!p0 $0x1C01  }
0x54: {  	[timem:s3], [sflag:s2] =	dma.local @!p0 [hbm:s0], s1  }
0x55: {  	s0 =	simm.s32 @!p0 $0x1  }
0x56: {  	_ =	swait.ge @!p0 [sflag:s0], s1  }
0x57: {  	s1 =	ssub.s32 @!p0 $0x0, s1;
	[sflag:s0] =	ssyncset.done @!p0 $0x0  }
0x58: {  	[sflag:s0] =	ssyncadd.s32 @!p0 s1  }
0x59: {  	[bflag:$0x3] =	sbarrier.arrive $0xFFFF  }
0x5a: {  	_ =	shalt  }

// kernel: gather_offload_async_start
scs
__scs_entry_jumppad:
0x0: {  	(pc) =	sbr.rel $0x88, $3  }
0x1: {  	(tag) =	ssettag $0x0;
	lr =	simm.s32 $0x1  }
0x2: {  	[smem:$0x3F9F] =	sst lr;
	_ =	strace $0xD0000000  }
0x3: {  	_ = 	snop  }
0x4: {  	_ = 	snop  }
0x5: {  	_ = 	snop  }
0x6: {  	_ = 	snop  }
0x7: {  	_ = 	snop  }
__scs_overlays_trampoline_lowered:
0x8: {  	[smem:$0x3FAE] =	sst s0  }
0x9: {  	[smem:$0x3FAF] =	sst s1  }
0xa: {  	[smem:$0x3FB0] =	sst s2  }
0xb: {  	[smem:$0x3FB1] =	sst s3  }
0xc: {  	[smem:$0x3FB2] =	sst s4  }
0xd: {  	[smem:$0x3FB3] =	sst s5  }
0xe: {  	[smem:$0x3FB4] =	sst s6  }
0xf: {  	[smem:$0x3FB5] =	sst s7  }
0x10: {  	[smem:$0x3FB6] =	sst s8  }
0x11: {  	[smem:$0x3FB7] =	sst s9;
	s0 =	simm.s32 @!p0 $0x0  }
0x12: {  	s1 =	sld [smem:$0x3F9D];
	s0 =	simm.s32 @p0 $0x1  }
0x13: {  	[smem:$0x3FB8] =	sst s0;
	s0 =	simm.s32 @!p1 $0x0  }
0x14: {  	s2 =	sld [smem:$0x3F9C];
	s0 =	simm.s32 @p1 $0x1  }
0x15: {  	[smem:$0x3FB9] =	sst s0;
	s0 =	simm.s32 @!p2 $0x0  }
0x16: {  	s3 =	sld [smem:$0x3FDB];
	s0 =	simm.s32 @p2 $0x1  }
0x17: {  	s4 =	simm.s32 $0x1BF5;
	[smem:$0x3FBB] =	sst s0  }
0x18: {  	s0 =	sld [smem:$0x3F9E];
	_ =	swait.ge [sflag:s4], $0x0  }
0x19: {  	s7 =	sld [smem:$0x3F9F]  }
0x1a: {  	s8 =	sadd.s32 $0xFFFFE003, lr  }
0x1b: {  	s9 =	sadd.s32 $0xFFFFFEF7, lr;
	s5 =	simm.s32 $0xFFFFFFFF;
	p2 =	slt.u32 s8, $0xFFFFF086  }
0x1c: {  	p1 =	slt.u32 s9, $0xF7A;
	s5 =	simm.s32 @!p2 $0x0  }
0x1d: {  	s5 =	simm.s32 @p1 $0x1;
	p0 =	seq.s32 s7, s2  }
0x1e: {  	s7 =	smul.u32 @!p0 $0xF7A, s2;
	p2 =	seq.s32 @!p0 s5, $0x0  }
0x1f: {  	s9 =	smul.u32 $0xF7A, s1;
	s8 =	simm.s32 @!p0 $0x1BF5;
	p2 =	por !p2, p0  }
0x20: {  	[sflag:s8] =	ssyncset.s32 @!p0 $0xFFFFF086;
	s6 =	sadd.s32 @!p0 s3, s7;
	s7 =	simm.s32 @!p0 $0x108  }
0x21: {  	s3 =	sadd.s32 s3, s9;
	s6 =	sadd.s32 @!p0 $0x88, s6;
	s7 =	simm.s32 @p2 $0x1082  }
0x22: {  	[simem:s7], [sflag:s8] =	dma.local @!p0 [hbm:s6], $0xF7A  }
0x23: {  	s9 =	sor.u32 $0xD0000000, s2;
	s6 =	simm.s32 $0x108;
	_ =	swait.ge @!p0 [sflag:s8], $0x0  }
0x24: {  	s3 =	sadd.s32 $0x88, s3;
	s6 =	simm.s32 @!p1 $0x1082;
	[sflag:s4] =	ssyncset.s32 $0xFFFFF086  }
0x25: {  	[simem:s6], [sflag:s4] =	dma.local [hbm:s3], $0xF7A  }
0x26: {  	[smem:$0x3F9F] =	sst s1;
	(tag) =	ssettag s2;
	_ =	strace s9  }
0x27: {  	s1 =	sld [smem:$0x3FAF]  }
0x28: {  	s2 =	sld [smem:$0x3FB0]  }
0x29: {  	s4 =	sld [smem:$0x3FB2]  }
0x2a: {  	p0 =	seq.s32 s5, $0x0;
	s5 =	sld [smem:$0x3FB3]  }
0x2b: {  	s6 =	sld [smem:$0x3FB4]  }
0x2c: {  	s7 =	sld [smem:$0x3FB5]  }
0x2d: {  	s3 =	simm.s32 $0x108;
	s8 =	sld [smem:$0x3FB6]  }
0x2e: {  	s3 =	simm.s32 @!p0 $0x1082;
	s9 =	sld [smem:$0x3FB7]  }
0x2f: {  	lr =	sadd.s32 s0, s3;
	s0 =	sld [smem:$0x3FAE]  }
0x30: {  	s3 =	sld [smem:$0x3FB1]  }
0x31: {  	[smem:$0x3FBA] =	sst s10  }
0x32: {  	s10 =	sld [smem:$0x3FB8];
	_ =	sdelay $0x3  }
0x33: {  	p0 =	seq.s32 s10, $0x1;
	s10 =	sld [smem:$0x3FBA];
	_ =	sdelay $0x3  }
0x34: {  	[smem:$0x3FBA] =	sst s10  }
0x35: {  	s10 =	sld [smem:$0x3FB9];
	_ =	sdelay $0x3  }
0x36: {  	p1 =	seq.s32 s10, $0x1;
	s10 =	sld [smem:$0x3FBA];
	_ =	sdelay $0x3  }
0x37: {  	[smem:$0x3FBA] =	sst s10  }
0x38: {  	s10 =	sld [smem:$0x3FBB]  }
0x39: {  	_ = 	snop;
	(pc) =	sbr.ind lr, $3  }
0x3a: {  	_ = 	snop  }
0x3b: {  	_ = 	snop  }
0x3c: {  	p2 =	seq.s32 s10, $0x1;
	s10 =	sld [smem:$0x3FBA]  }
0x3d: {  	_ =	shalt  }
0x3e: {  	_ =	shalt  }
0x3f: {  	_ =	shalt  }
0x40: {  	_ =	shalt  }
0x41: {  	_ =	shalt  }
0x42: {  	_ =	shalt  }
0x43: {  	_ =	shalt  }
0x44: {  	_ =	shalt  }
0x45: {  	_ =	shalt  }
0x46: {  	_ =	shalt  }
0x47: {  	_ =	shalt  }
0x48: {  	_ =	shalt  }
0x49: {  	_ =	shalt  }
0x4a: {  	_ =	shalt  }
0x4b: {  	_ =	shalt  }
0x4c: {  	_ =	shalt  }
0x4d: {  	_ =	shalt  }
0x4e: {  	_ =	shalt  }
0x4f: {  	_ =	shalt  }
0x50: {  	_ =	shalt  }
0x51: {  	_ =	shalt  }
0x52: {  	_ =	shalt  }
0x53: {  	_ =	shalt  }
0x54: {  	_ =	shalt  }
0x55: {  	_ =	shalt  }
0x56: {  	_ =	shalt  }
0x57: {  	_ =	shalt  }
0x58: {  	_ =	shalt  }
0x59: {  	_ =	shalt  }
0x5a: {  	_ =	shalt  }
0x5b: {  	_ =	shalt  }
0x5c: {  	_ =	shalt  }
0x5d: {  	_ =	shalt  }
0x5e: {  	_ =	shalt  }
0x5f: {  	_ =	shalt  }
0x60: {  	_ =	shalt  }
0x61: {  	_ =	shalt  }
0x62: {  	_ =	shalt  }
0x63: {  	_ =	shalt  }
0x64: {  	_ =	shalt  }
0x65: {  	_ =	shalt  }
0x66: {  	_ =	shalt  }
0x67: {  	_ =	shalt  }
0x68: {  	_ =	shalt  }
0x69: {  	_ =	shalt  }
0x6a: {  	_ =	shalt  }
0x6b: {  	_ =	shalt  }
0x6c: {  	_ =	shalt  }
0x6d: {  	_ =	shalt  }
0x6e: {  	_ =	shalt  }
0x6f: {  	_ =	shalt  }
0x70: {  	_ =	shalt  }
0x71: {  	_ =	shalt  }
0x72: {  	_ =	shalt  }
0x73: {  	_ =	shalt  }
0x74: {  	_ =	shalt  }
0x75: {  	_ =	shalt  }
0x76: {  	_ =	shalt  }
0x77: {  	_ =	shalt  }
0x78: {  	_ =	shalt  }
0x79: {  	_ =	shalt  }
0x7a: {  	_ =	shalt  }
0x7b: {  	_ =	shalt  }
0x7c: {  	_ =	shalt  }
0x7d: {  	_ =	shalt  }
0x7e: {  	_ =	shalt  }
0x7f: {  	_ =	shalt  }
0x80: {  	_ =	shalt  }
0x81: {  	_ =	shalt  }
0x82: {  	_ =	shalt  }
0x83: {  	_ =	shalt  }
0x84: {  	_ =	shalt  }
0x85: {  	_ =	shalt  }
0x86: {  	_ =	shalt  }
0x87: {  	_ =	shalt  }
.Lfunc_end0:
.L_simem_size_0:
called_computation_lowered:
.L_overlay_start_0:
0x88: {  	s2 =	sld [smem:$0x3FD9]  }
0x89: {  	s3 =	sld [smem:$0x3FFE];
	_ =	sdelay $0x1  }
0x8a: {  	s1 =	srdreg.scid  }
0x8b: {  	s0 =	sand.u32 $0x1, s1  }
0x8c: {  	s14 =	sshll.u32 s0, $0xA;
	s2 =	sadd.s32 s3, s2  }
0x8d: {  	s2 =	sadd.s32 s2, s14  }
0x8e: {  	[smem:$0x3FC6] =	sst s2  }
0x8f: {  	_ = 	snop  }
0x90: {  	s2 =	sld [smem:$0x3FD0];
	_ =	sdelay $0x2  }
0x91: {  	s15 =	simm.s32 $0xA;
	s4 =	simm.s32 $0x10  }
0x92: {  	[smem:s4], [sflag:s15] =	dma.local [hbm:s2], $0x1  }
0x93: {  	_ =	swait.eq [sflag:s15], $0x1  }
0x94: {  	[sflag:s15] =	ssyncset.done $0x0  }
0x95: {  	[sflag:s15] =	ssyncadd.s32 $0xFFFFFFFF  }
0x96: {  	s16 =	sld [smem:$0x10];
	(tm) =	ssettm $0x1  }
0x97: {  	s17 =	sld [smem:$0x3FFB];
	_ =	sdelay $0x3  }
0x98: {  	_ =	strace s17  }
0x99: {  	s3 =	sld [smem:$0x3FFC];
	_ =	sdelay $0x3  }
0x9a: {  	_ =	strace s3  }
0x9b: {  	s3 =	sld [smem:$0x3FFD];
	_ =	sdelay $0x3  }
0x9c: {  	_ =	strace s3  }
0x9d: {  	_ =	strace $0x8FFFFFFF  }
0x9e: {  	s18 =	sld [smem:$0x3FDB];
	_ =	sdelay $0x1  }
0x9f: {  	s19 =	simm.s32 $_scs_section_size  }
0xa0: {  	s5 =	simm.s32 $_size__tile_overlayer_lowered;
	s6 =	simm.s32 $_tile_overlayer_lowered  }
0xa1: {  	s22 =	simm.s32 $0x1BFF;
	s21 =	sshll.u32 s6, $0x1;
	s3 =	sadd.s32 s19, s18  }
0xa2: {  	s7 =	simm.s32 $0x0;
	s20 =	sshll.u32 s5, $0x1;
	s5 =	sadd.s32 s21, s3  }
0xa3: {  	[timem:s7], [sflag:s22] =	dma.local [hbm:s5], s20  }
0xa4: {  	_ =	swait.ge [sflag:s22], s20  }
0xa5: {  	s4 =	ssub.s32 $0x0, s20;
	[sflag:s22] =	ssyncset.done $0x0  }
0xa6: {  	[sflag:s22] =	ssyncadd.s32 s4;
	_ =	sdelay $0x1  }
0xa7: {  	s23 =	simm.s32 $0x1B8B  }
0xa8: {  	_ =	swait.ge [sflag:s23], $0x1  }
0xa9: {  	[sflag:s23] =	ssyncset.done $0x0  }
0xaa: {  	s25 =	simm.s32 $0x1B8E;
	s24 =	sld [smem:$0x3FFE];
	[sflag:s23] =	ssyncadd.s32 $0xFFFFFFFF  }
0xab: {  	s26 =	simm.s32 $execute0_lowered;
	[smem:$0x3FD2] =	sst s25  }
0xac: {  	s5 =	sshll.u32 s26, $0x1;
	_ =	strace $0x80000049;
	[dreg:$0x1] =	wrdreg $0xFFFFFFFF  }
0xad: {  	s28 =	simm.s32 $_size_execute0_lowered;
	s3 =	sadd.s32 s3, s5;
	[dreg:$0x0] =	wrdreg $0x0  }
0xae: {  	s5 =	sshll.u32 s28, $0x1;
	[dreg:$0x2] =	wrdreg s3  }
0xaf: {  	[dreg:$0x3] =	wrdreg s5  }
0xb0: {  	[dreg:$0x4] =	wrdreg $0xC0  }
0xb1: {  	_ =	task [dreg:s7], $0x5FFFF  }
0xb2: {  	[dreg:$0x1] =	wrdreg $0xFFFFFFFF  }
0xb3: {  	[dreg:$0x0] =	wrdreg $0x60  }
0xb4: {  	[dreg:$0x2] =	wrdreg s24  }
0xb5: {  	[dreg:$0x3] =	wrdreg s16  }
0xb6: {  	[dreg:$0x4] =	wrdreg $0x9  }
0xb7: {  	_ =	task.clear_ibuf [dreg:s7], $0x5FFFF;
	_ =	strace $0x90000049  }
0xb8: {  	s29 =	simm.s32 $0x9;
	_ =	strace $0x8000004B  }
0xb9: {  	_ =	swait.ge [sflag:s29], $0x1  }
0xba: {  	[sflag:s29] =	ssyncadd.s32 $0xFFFFFFFF  }
0xbb: {  	_ =	strace $0x9000004B  }
0xbc: {  	_ =	sfence  }
0xbd: {  	s30 =	sld [smem:$0x0];
	_ =	sdelay $0x2  }
0xbe: {  	s31 =	sshll.u32 s1, $0xD;
	s1 =	sshrl.u32 s1, $0x2  }
0xbf: {  	s3 =	sand.u32 $0x4000, s31;
	s1 =	sadd.s32 s1, s30  }
0xc0: {  	s0 =	sor.u32 s3, s0;
	s1 =	sshll.u32 s1, $0x11  }
0xc1: {  	s0 =	sor.u32 s1, s0  }
0xc2: {  	s0 =	sadd.s32 $0x8F2B, s0  }
0xc3: {  	[sflag:s0] =	ssyncadd.remote.s32 $0x1  }
0xc4: {  	_ =	sfence.sel $0xFFFF  }
0xc5: {  	[dreg:$0x0] =	wrdreg $0xFFFFFFFF;
	(pc) =	sbr.abs _section_cstart, $3  }
0xc6: {  	[dreg:$0x1] =	wrdreg $0xFFFFFFFF  }
0xc7: {  	_ =	task.clear_ibuf [dreg:s7], $0x2FFFF;
	_ =	strace $0x9FFFFFFF  }
0xc8: {  	(tm) =	ssettm $0x7FFFFFFF  }
0xc9: {  	_ =	shalt  }
tec
execute0_lowered:
.L_overlay_start_1:
0x0: {  	(tag) =	ssettag $0x1  }
0x1: {  	s7 =	rddreg [dreg:$0x0]  }
0x2: {  	s2 =	rddreg [dreg:$0x1]  }
0x3: {  	s0 =	rddreg [dreg:$0x2]  }
0x4: {  	s1 =	srdreg.scid;
	_ =	strace $0x8000004A;
	s4 =	simm.s32 $0x1  }
0x5: {  	s9 =	simm.s32 $0x3;
	s12 =	simm.s32 $0x0;
	s5 =	sshll.u32 s1, $0x4  }
.Ltmp0:
0x6: {  	s1 =	stileid.u32;
	s5 =	sand.u32 $0x10, s5;
	(pc) =	sbr.rel .LBB2_1-.Ltmp0, $4  }
0x7: {  	s10 =	simm.s32 $0x0;
	s3 =	sadd.s32 $0x2800, s7;
	s6 =	sor.u32 s1, s5  }
0x8: {  	[sflag:s4] =	ssyncpa.u1 $0x0;
	s5 =	simm.s32 $0x2;
	s6 =	sshll.u32 s6, $0x7  }
0x9: {  	s7 =	sadd.s32 $0x13B000, s7;
	[sflag:s5] =	ssyncpa.u1 $0x0;
	s8 =	sadd.s32 $0x80, s6  }
0xa: {  	vm0 =	vmmov $0xff;
	vm1 =	vcmask $0x3F20;
	[sflag:s9] =	ssyncpa.u1 $0x0;
	s9 =	simm.s32 $0x80;
	s11 =	smov.u32 s6  }
.LBB2_9:
0xb: {  	p0 =	seq.s32 s10, $0x2  }
.Ltmp1:
0xc: {  	_ = 	snop;
	(pc) =	sbr.rel @p0 .LBB2_11-.Ltmp1, $1  }
0xd: {  	_ =	sdelay $0x3  }
.LBB2_10:
0xe: {  	s12 =	sadd.s32 $0x80, s11  }
0xf: {  	s13 =	smov.u32 s6;
	p0 =	slt.s32 s12, s8  }
0x10: {  	s13 =	smov.u32 @p0 s12  }
0x11: {  	s10 =	sadd.s32 $0x1, s10;
	s12 =	smov.u32 s11;
	s11 =	smov.u32 s13  }
.LBB2_1:
0x12: {  	p0 =	sne.s32 s10, $0x0  }
.Ltmp2:
0x13: {  	_ = 	snop;
	(pc) =	sbr.rel @!p0 .LBB2_2-.Ltmp2, $1  }
0x14: {  	_ =	sdelay $0x3  }
0x15: {  	s13 =	sand.u32 $0x1, s10  }
0x16: {  	p0 =	seq.s32 s13, $0x0  }
.Ltmp3:
0x17: {  	_ = 	snop;
	(pc) =	sbr.rel @p0 .LBB2_9-.Ltmp3, $1  }
0x18: {  	_ =	sdelay $0x3  }
0x19: {  	_ =	swait.ge [sflag:s5], $0x80  }
0x1a: {  	[sflag:s5] =	ssyncset.done $0x0  }
0x1b: {  	s13 =	simm.s32 $0x0;
	[sflag:s5] =	ssyncadd.s32 $0xFFFFFF80  }
0x1c: {  	v0 =	vld.msk [tilespmem:s13+$0x80 ss:$0x1], $0xffff;
	_ =	sdelay $0x4  }
0x1d: {  	v1 =	vand.u32 $0x3, v0;
	v2 =	vshll.u32 v0, $0x5  }
0x1e: {  	vm2 =	veq.s32 v0, $0x80000000;
	v0 =	vmul.u32 $0x271000, v1;
	v1 =	vand.u32 $0x3FFF80, v2  }
0x1f: {  	v1 =	vsel vm2, $0xFFFFFF80, v1  }
0x20: {  	v0 =	vsel vm2, $0xFFD8F000, v0;
	v2 =	vand.u32 $0xFFFFFC00, v1  }
0x21: {  	v1 =	vand.u32 $0x380, v1;
	v0 =	vadd.s32 v0, v2  }
0x22: {  	v0 =	vor.u32 v1, v0  }
0x23: {  	v0 =	vshrl.u32 v0, $0x3;
	_ =	sdelay $0x3  }
0x24: {  	s13 =	simm.s32 $0x4100  }
0x25: {  	[tilespmem:s13], [sflag:$0x1] =	stream.indirect_vreg.gather [hbm:s3], $0x80, v0, vm0, $0x38;
	[tilespmem:$0x8100] =	vst v63  }
0x26: {  	s14 =	simm.s32 $0x4500;
	s31 =	simm.s32 $0x10  }
0x27: {  	[tilespmem:s14], [sflag:$0x1] =	stream.indirect_vreg.gather [hbm:s3], $0x80, v0, vm1, $0x38;
	[tilespmem:$0x8100] =	vst v63  }
0x28: {  	s14 =	simm.s32 $0x80;
	v0 =	vld.msk [tilespmem:s31+$0x80 ss:$0x1], $0xffff  }
.LBB2_5:
0x29: {  	p0 =	sne.s32 s14, $0x1C0;
	_ =	sdelay $0x4  }
0x2a: {  	v1 =	vand.u32 $0x3, v0;
	v2 =	vshll.u32 v0, $0x5  }
0x2b: {  	vm2 =	veq.s32 v0, $0x80000000;
	v0 =	vmul.u32 $0x271000, v1;
	v1 =	vand.u32 $0x3FFF80, v2  }
0x2c: {  	v1 =	vsel vm2, $0xFFFFFF80, v1  }
0x2d: {  	v0 =	vsel vm2, $0xFFD8F000, v0;
	v2 =	vand.u32 $0xFFFFFC00, v1  }
0x2e: {  	v1 =	vand.u32 $0x380, v1;
	v0 =	vadd.s32 v0, v2  }
0x2f: {  	v0 =	vor.u32 v1, v0  }
0x30: {  	v0 =	vshrl.u32 v0, $0x3;
	_ =	sdelay $0x3  }
.Ltmp4:
0x31: {  	s13 =	sadd.s32 $0x800, s13;
	(pc) =	sbr.rel @p0 .LBB2_5-.Ltmp4, $4  }
0x32: {  	[tilespmem:s13], [sflag:$0x1] =	stream.indirect_vreg.gather [hbm:s3], $0x80, v0, vm0, $0x38;
	[tilespmem:$0x8100] =	vst v63  }
0x33: {  	s15 =	sshra.s32 s14, $0x2;
	s16 =	sadd.s32 $0x400, s13  }
0x34: {  	[tilespmem:s16], [sflag:$0x1] =	stream.indirect_vreg.gather [hbm:s3], $0x80, v0, vm1, $0x38;
	[tilespmem:$0x8100] =	vst v63  }
0x35: {  	s14 =	sadd.s32 $0x40, s14;
	v0 =	vld.msk [tilespmem:s15+$0x80 ss:$0x1], $0xffff  }
0x36: {  	_ =	sdelay $0x3  }
0x37: {  	v1 =	vand.u32 $0x3, v0;
	v2 =	vshll.u32 v0, $0x5  }
0x38: {  	vm2 =	veq.s32 v0, $0x80000000;
	v61 =	vmul.u32 $0x271000, v1;
	v62 =	vand.u32 $0x3FFF80, v2  }
0x39: {  	v1 =	vsel vm2, $0xFFFFFF80, v62  }
0x3a: {  	v0 =	vsel vm2, $0xFFD8F000, v61;
	v63 =	vand.u32 $0xFFFFFC00, v1  }
0x3b: {  	v1 =	vand.u32 $0x380, v1;
	v0 =	vadd.s32 v0, v63  }
0x3c: {  	v0 =	vor.u32 v1, v0  }
0x3d: {  	v0 =	vshrl.u32 v0, $0x3;
	_ =	sdelay $0x3  }
0x3e: {  	s13 =	sadd.s32 $0x800, s13  }
0x3f: {  	[tilespmem:s13], [sflag:$0x1] =	stream.indirect_vreg.gather [hbm:s3], $0x80, v0, vm0, $0x38;
	[tilespmem:$0x8100] =	vst v63  }
0x40: {  	s13 =	sadd.s32 $0x400, s13  }
0x41: {  	[tilespmem:s13], [sflag:$0x1] =	stream.indirect_vreg.gather [hbm:s3], $0x80, v0, vm1, $0x38;
	[tilespmem:$0x8100] =	vst v63  }
0x42: {  	s12 =	sshll.u32 s12, $0x4;
	s14 =	simm.s32 $0x80;
	_ =	swait.ge [sflag:s4], $0x4000  }
0x43: {  	s15 =	simm.s32 $0x4500;
	s12 =	sadd.s32 s12, s7;
	[sflag:s4] =	ssyncset.done $0x0  }
0x44: {  	s16 =	sadd.s32 $0x0, s12;
	s13 =	simm.s32 $0x4100;
	[sflag:s4] =	ssyncadd.s32 $0xFFFFC000  }
.LBB2_7:
0x45: {  	[hbm:s16] =	stream.linear.scatter [tilespmem:s13], [sflag:$0x3], $0x400, $0x38;
	[tilespmem:$0x8100] =	vst v63  }
0x46: {  	s16 =	smov.u32 s14;
	s13 =	smov.u32 s15;
	p0 =	sne.s32 s14, $0x780  }
.Ltmp5:
0x47: {  	s14 =	sadd.s32 $0x80, s14;
	(pc) =	sbr.rel @p0 .LBB2_7-.Ltmp5, $2  }
0x48: {  	_ =	sdelay $0x2  }
0x49: {  	s15 =	sadd.s32 $0x400, s15;
	s16 =	sadd.s32 s16, s12  }
.Ltmp6:
0x4a: {  	(pc) =	sbr.rel .LBB2_9-.Ltmp6, $2  }
0x4b: {  	_ =	sdelay $0x2  }
0x4c: {  	[hbm:s16] =	stream.linear.scatter [tilespmem:s13], [sflag:$0x3], $0x400, $0x38;
	[tilespmem:$0x8100] =	vst v63  }
.LBB2_2:
.Ltmp7:
0x4d: {  	(pc) =	sbr.rel .LBB2_10-.Ltmp7, $4  }
0x4e: {  	_ = 	snop  }
0x4f: {  	s12 =	sshrl.u32 s11, $0x3  }
0x50: {  	s13 =	sand.u32 $0x7, s11;
	s12 =	sadd.s32 s2, s12  }
0x51: {  	[tilespmem:s9], [sflag:$0x2] =	stream.linear.gather [hbm4b:s12+s13], $0x80, $0x38;
	[tilespmem:$0x8100] =	vst v63  }
.LBB2_11:
0x52: {  	s2 =	simm.s32 $0x3  }
0x53: {  	_ =	swait.ge [sflag:s2], $0x4000  }
0x54: {  	[sflag:s2] =	ssyncset.done $0x0  }
0x55: {  	[sflag:s2] =	ssyncadd.s32 $0xFFFFC000  }
0x56: {  	_ =	sfence.sel $0x180000  }
0x57: {  	s3 =	simm.s32 $0x2;
	[bflag:$0x0] =	sbarrier.arrive $0xFFFF  }
0x58: {  	[sflag:s3] =	ssyncpa.u1 $0x1  }
0x59: {  	s31 =	simm.s32 $0x1;
	[sflag:s2] =	ssyncpa.u1 $0x1  }
0x5a: {  	[sflag:s31] =	ssyncpa.u1 $0x1  }
0x5b: {  	p0 =	sne.s32 s1, $0x0;
	_ =	strace $0x9000004A  }
0x5c: {  	s0 =	sadd.s32 @!p0 $0x100000, s0;
	[bflag:$0x2] =	sbarrier.arrive $0xFFFF  }
0x5d: {  	[sflag:s0] =	ssyncadd.tile.s32 @!p0 $0x1;
	_ =	shalt  }
.Lfunc_end2:
_tile_overlayer_lowered:
.L_overlay_start_2:
0x5e: {  	(tag) =	ssettag $0x2  }
0x5f: {  	s0 =	rddreg [dreg:$0x0];
	s2 =	stileid.u32  }
0x60: {  	s1 =	rddreg [dreg:$0x1];
	p0 =	sne.s32 s2, $0x0  }
0x61: {  	s3 =	rddreg [dreg:$0x2];
	[bflag:$0x3] =	sbarrier.arrive $0xFFFF;
	s2 =	simm.s32 @!p0 $0x1C01  }
0x62: {  	[timem:s3], [sflag:s2] =	dma.local @!p0 [hbm:s0], s1  }
0x63: {  	s0 =	simm.s32 @!p0 $0x1  }
0x64: {  	_ =	swait.ge @!p0 [sflag:s0], s1  }
0x65: {  	s1 =	ssub.s32 @!p0 $0x0, s1;
	[sflag:s0] =	ssyncset.done @!p0 $0x0  }
0x66: {  	[sflag:s0] =	ssyncadd.s32 @!p0 s1  }
0x67: {  	[bflag:$0x3] =	sbarrier.arrive $0xFFFF  }
0x68: {  	_ =	shalt  }

</sc_bundles>
